<compile_context>
chip_gen: v7x
topology: tpu7x:2x2x1
jax: 0.10.2.dev20260603
libtpu: 0.0.44.dev20260713+nightly
codegen_flags: <defaults>
</compile_context>

<pallas_src>
import functools

import jax
import jax.numpy as jnp
from jax import lax
from jax.experimental import pallas as pl
from jax.experimental.pallas import tpu as pltpu
from jax.experimental.pallas import tpu_sc as plsc

N = 20000
M = 128
NC = 2
NS = 16
L = 16
NW = NC * NS
NPAD = 20480
CHUNK = NPAD // NW
NVEC = CHUNK // L

_LN2 = 0.6931471805599453
_SQRT2 = 1.4142135623730951


def _ln(x):
    bits = plsc.bitcast(x, jnp.int32)
    e = jnp.right_shift(bits, 23) - 127
    m = plsc.bitcast((bits & 0x007FFFFF) | 0x3F800000, jnp.float32)
    big = m > _SQRT2
    m = jnp.where(big, 0.5 * m, m)
    e = jnp.where(big, e + 1, e)
    s = (m - 1.0) / (m + 1.0)
    s2 = s * s
    p = jnp.float32(2.0 / 9.0)
    p = 2.0 / 7.0 + s2 * p
    p = 2.0 / 5.0 + s2 * p
    p = 2.0 / 3.0 + s2 * p
    p = 2.0 + s2 * p
    return e.astype(jnp.float32) * _LN2 + s * p


def _sc_body(prop_hbm, gt_hbm, pred_hbm, match_hbm, delta_hbm, dec_hbm,
             ppx1_v, ppy1_v, ppx2_v, ppy2_v, ptx_v, pty_v, ptw_v, pth_v,
             gx1_v, gy1_v, gx2_v, gy2_v, gar_v,
             match_v, dxv, dyv, dwv, dhv, ox1v, oy1v, ox2v, oy2v,
             in_sem, out_sem):
    wid = lax.axis_index("s") * NC + lax.axis_index("c")
    base = jnp.minimum(wid * CHUNK, N - CHUNK)
    handles = []
    for c, dst in enumerate((ppx1_v, ppy1_v, ppx2_v, ppy2_v)):
        handles.append(pltpu.async_copy(
            prop_hbm.at[pl.ds(c * N + base, CHUNK)], dst, in_sem))
    for c, dst in enumerate((gx1_v, gy1_v, gx2_v, gy2_v)):
        handles.append(pltpu.async_copy(
            gt_hbm.at[pl.ds(c * M, M)], dst, in_sem))
    for c, dst in enumerate((ptx_v, pty_v, ptw_v, pth_v)):
        handles.append(pltpu.async_copy(
            pred_hbm.at[pl.ds(c * N + base, CHUNK)], dst, in_sem))
    for h in handles:
        h.wait()

    lane = lax.iota(jnp.int32, L)

    for g in range(M // L):
        sl = pl.ds(g * L, L)
        gar_v[sl] = (gx2_v[sl] - gx1_v[sl]) * (gy2_v[sl] - gy1_v[sl])

    def epilogue(sl, px1, py1, px2, py2, ap, bi, b_in, b_un):
        del ap
        pw = px2 - px1
        ph = py2 - py1
        bv = b_in / jnp.maximum(b_un, 1e-9)
        matched = bv >= 0.5
        match_v[sl] = jnp.where(matched, bi, -1)

        gi = jnp.where(matched, bi, 0)
        gx1 = plsc.load_gather(gx1_v, [gi])
        gy1 = plsc.load_gather(gy1_v, [gi])
        gx2 = plsc.load_gather(gx2_v, [gi])
        gy2 = plsc.load_gather(gy2_v, [gi])
        gw = jnp.maximum(gx2 - gx1, 1.0)
        gh = jnp.maximum(gy2 - gy1, 1.0)
        acx = px1 + 0.5 * pw
        acy = py1 + 0.5 * ph
        dxv[sl] = (gx1 + 0.5 * gw - acx) / pw * 10.0
        dyv[sl] = (gy1 + 0.5 * gh - acy) / ph * 10.0
        dwv[sl] = _ln(gw / pw) * 5.0
        dhv[sl] = _ln(gh / ph) * 5.0

        tx = ptx_v[sl] * 0.1
        ty = pty_v[sl] * 0.1
        tw = ptw_v[sl] * 0.2
        th = pth_v[sl] * 0.2
        ocx = acx + tx * pw
        ocy = acy + ty * ph
        ow = jnp.exp(tw) * pw
        oh = jnp.exp(th) * ph
        ox1 = ocx - 0.5 * ow
        oy1 = ocy - 0.5 * oh
        ox1v[sl] = ox1
        oy1v[sl] = oy1
        ox2v[sl] = ox1 + ow
        oy2v[sl] = oy1 + oh

    VB = 4

    def per_pair(v2, acc):
        sls = [pl.ds(v2 * (VB * L) + i * L, L) for i in range(VB)]
        ps = [(ppx1_v[sl], ppy1_v[sl], ppx2_v[sl], ppy2_v[sl]) for sl in sls]
        aps = [(p[2] - p[0]) * (p[3] - p[1]) for p in ps]

        def upd(p, ap, splats, carry):
            px1, py1, px2, py2 = p
            gx1, gy1, gx2, gy2, ag, mi = splats
            bi, b_in, b_un = carry
            w = jnp.maximum(jnp.minimum(px2, gx2) - jnp.maximum(px1, gx1), 0.0)
            h = jnp.maximum(jnp.minimum(py2, gy2) - jnp.maximum(py1, gy1), 0.0)
            inter = w * h
            union = (ap + ag) - inter
            better = inter * b_un > b_in * union
            bi = jnp.where(better, mi, bi)
            b_in = jnp.where(better, inter, b_in)
            b_un = jnp.where(better, union, b_un)
            return bi, b_in, b_un

        def per_gt(m, carry):
            del m
            cs, mi = carry
            splats = (plsc.load_gather(gx1_v, [mi]),
                      plsc.load_gather(gy1_v, [mi]),
                      plsc.load_gather(gx2_v, [mi]),
                      plsc.load_gather(gy2_v, [mi]),
                      plsc.load_gather(gar_v, [mi]), mi)
            return tuple(upd(p, ap, splats, c)
                         for p, ap, c in zip(ps, aps, cs)), mi + 1

        zeros = jnp.zeros((L,), jnp.int32)
        fz = jnp.zeros((L,), jnp.float32)
        fo = jnp.ones((L,), jnp.float32)
        cs, _ = lax.fori_loop(
            0, M, per_gt,
            (tuple((zeros, fz, fo) for _ in range(VB)), zeros), unroll=2)

        for sl, p, ap, c in zip(sls, ps, aps, cs):
            epilogue(sl, *p, ap, *c)
        return acc

    lax.fori_loop(0, NVEC // VB, per_pair, 0)

    handles = [pltpu.async_copy(match_v, match_hbm.at[pl.ds(base, CHUNK)],
                                out_sem)]
    for c, srcv in enumerate((dxv, dyv, dwv, dhv)):
        handles.append(pltpu.async_copy(
            srcv, delta_hbm.at[pl.ds(c * N + base, CHUNK)], out_sem))
    for c, srcv in enumerate((ox1v, oy1v, ox2v, oy2v)):
        handles.append(pltpu.async_copy(
            srcv, dec_hbm.at[pl.ds(c * N + base, CHUNK)], out_sem))
    for h in handles:
        h.wait()


_sc_kernel = functools.partial(
    pl.kernel,
    out_type=(
        jax.ShapeDtypeStruct((N,), jnp.int32),
        jax.ShapeDtypeStruct((4 * N,), jnp.float32),
        jax.ShapeDtypeStruct((4 * N,), jnp.float32),
    ),
    mesh=plsc.VectorSubcoreMesh(
        core_axis_name="c", subcore_axis_name="s",
        num_cores=NC, num_subcores=NS),
    compiler_params=pltpu.CompilerParams(needs_layout_passes=False),
    scratch_types=(
        [pltpu.VMEM((CHUNK,), jnp.float32)] * 8
        + [pltpu.VMEM((M,), jnp.float32)] * 5
        + [pltpu.VMEM((CHUNK,), jnp.int32)]
        + [pltpu.VMEM((CHUNK,), jnp.float32)] * 8
        + [pltpu.SemaphoreType.DMA] * 2
    ),
)(_sc_body)


def kernel(proposals, gt_boxes, predicts):
    matches, delta_t, dec_t = _sc_kernel(
        proposals.T.reshape(-1), gt_boxes.T.reshape(-1),
        predicts.T.reshape(-1))
    return (matches.astype(jnp.int64),
            delta_t.reshape(4, N).T,
            dec_t.reshape(4, N).T)

# --- scband reference (transcript-rebuilt; emitter-appended) ---
"""Pipeline reference for scband-roihead-85031762526889 (READ-ONLY COPY).

The authoritative reference and input builder live on the scoring server;
editing this copy changes nothing except your own understanding.
"""

import jax, jax.numpy as jnp
import numpy as np

N = 20000
M = 128
HIGH_THR = 0.5
LOW_THR = 0.5
BELOW_LOW_THRESHOLD = -1
BETWEEN_THRESHOLDS = -2
WEIGHTS = jnp.array([0.1, 0.1, 0.2, 0.2], dtype=jnp.float32)


def setup_inputs(seed: int = 0) -> dict:
    key = jax.random.key(seed)
    k1, k2, k3, k4, k5 = jax.random.split(key, 5)
    # valid boxes: x1<x2, y1<y2, wh >= 1
    pxy = jax.random.uniform(k1, (N, 2), dtype=jnp.float32) * 900.0
    pwh = 1.0 + jax.random.uniform(k2, (N, 2), dtype=jnp.float32) * 99.0
    proposals = jnp.concatenate([pxy, pxy + pwh], axis=-1)
    gxy = jax.random.uniform(k3, (M, 2), dtype=jnp.float32) * 900.0
    gwh = 1.0 + jax.random.uniform(k4, (M, 2), dtype=jnp.float32) * 99.0
    gt_boxes = jnp.concatenate([gxy, gxy + gwh], axis=-1)
    predicts = jax.random.normal(k5, (N, 4), dtype=jnp.float32) * 0.1
    return {"proposals": proposals, "gt_boxes": gt_boxes, "predicts": predicts}


def pairwise_iou(gt, boxes):
    # gt: [M,4], boxes: [N,4] -> [M,N]
    area_g = (gt[:, 2] - gt[:, 0]) * (gt[:, 3] - gt[:, 1])
    area_b = (boxes[:, 2] - boxes[:, 0]) * (boxes[:, 3] - boxes[:, 1])
    lt = jnp.maximum(gt[:, None, :2], boxes[None, :, :2])
    rb = jnp.minimum(gt[:, None, 2:], boxes[None, :, 2:])
    wh = jnp.clip(rb - lt, 0.0, None)
    inter = wh[..., 0] * wh[..., 1]
    union = area_g[:, None] + area_b[None, :] - inter
    return inter / jnp.maximum(union, 1e-9)


def match(match_quality_matrix):
    # Matcher.__call__ with allow_low_quality_matches=False
    matched_vals = jnp.max(match_quality_matrix, axis=0)
    matches = jnp.argmax(match_quality_matrix, axis=0).astype(jnp.int64)
    below_low = matched_vals < LOW_THR
    between = (matched_vals >= LOW_THR) & (matched_vals < HIGH_THR)
    matches = jnp.where(below_low, BELOW_LOW_THRESHOLD, matches)
    matches = jnp.where(between, BETWEEN_THRESHOLDS, matches)
    return matches


def box_encoder(anchors, gt_matched):
    a_wh = anchors[..., 2:] - anchors[..., :2]
    a_xy = anchors[..., :2] + 0.5 * a_wh
    g_wh = jnp.clip(gt_matched[..., 2:] - gt_matched[..., :2], 1.0, None)
    g_xy = gt_matched[..., :2] + 0.5 * g_wh
    delta_xy = (g_xy - a_xy) / a_wh
    delta_wh = jnp.log(g_wh / a_wh)
    return jnp.concatenate([delta_xy, delta_wh], axis=-1) / WEIGHTS


def box_decoder(predicts, anchors):
    a_wh = anchors[:, 2:] - anchors[:, :2]
    a_xy = anchors[:, :2] + 0.5 * a_wh
    scale_reg = predicts * WEIGHTS
    xy = a_xy + scale_reg[..., :2] * a_wh
    wh = jnp.exp(scale_reg[..., 2:]) * a_wh
    x1y1 = xy - 0.5 * wh
    x2y2 = x1y1 + wh
    return jnp.concatenate([x1y1, x2y2], axis=-1)


def reference(proposals, gt_boxes, predicts):
    iou_m = pairwise_iou(gt_boxes, proposals)          # [M, N]
    matches = match(iou_m)                             # [N] int64
    idx = jnp.clip(matches, 0, None)
    gt_matched = jnp.take(gt_boxes, idx, axis=0)       # gather [N,4]
    delta_targets = box_encoder(proposals, gt_matched)  # [N,4]
    decoded = box_decoder(predicts, proposals)          # [N,4]
    return matches, delta_targets, decoded

if __name__ == "__main__":
    import jax
    _d = setup_inputs()
    print(jax.jit(kernel)(*tuple(_d.values())))

</pallas_src>

<mosaic_0001>
#map = affine_map<(d0, d1) -> (0)>
module attributes {stable_mosaic.version = 14 : i64} {
  func.func @_sc_body(%arg0: i32, %arg1: i32, %arg2: memref<80000xf32, #tpu.memory_space<hbm>>, %arg3: memref<512xf32, #tpu.memory_space<hbm>>, %arg4: memref<80000xf32, #tpu.memory_space<hbm>>, %arg5: memref<20000xi32, #tpu.memory_space<hbm>>, %arg6: memref<80000xf32, #tpu.memory_space<hbm>>, %arg7: memref<80000xf32, #tpu.memory_space<hbm>>, %arg8: memref<640xf32, #tpu.memory_space<vmem>>, %arg9: memref<640xf32, #tpu.memory_space<vmem>>, %arg10: memref<640xf32, #tpu.memory_space<vmem>>, %arg11: memref<640xf32, #tpu.memory_space<vmem>>, %arg12: memref<640xf32, #tpu.memory_space<vmem>>, %arg13: memref<640xf32, #tpu.memory_space<vmem>>, %arg14: memref<640xf32, #tpu.memory_space<vmem>>, %arg15: memref<640xf32, #tpu.memory_space<vmem>>, %arg16: memref<128xf32, #tpu.memory_space<vmem>>, %arg17: memref<128xf32, #tpu.memory_space<vmem>>, %arg18: memref<128xf32, #tpu.memory_space<vmem>>, %arg19: memref<128xf32, #tpu.memory_space<vmem>>, %arg20: memref<128xf32, #tpu.memory_space<vmem>>, %arg21: memref<640xi32, #tpu.memory_space<vmem>>, %arg22: memref<640xf32, #tpu.memory_space<vmem>>, %arg23: memref<640xf32, #tpu.memory_space<vmem>>, %arg24: memref<640xf32, #tpu.memory_space<vmem>>, %arg25: memref<640xf32, #tpu.memory_space<vmem>>, %arg26: memref<640xf32, #tpu.memory_space<vmem>>, %arg27: memref<640xf32, #tpu.memory_space<vmem>>, %arg28: memref<640xf32, #tpu.memory_space<vmem>>, %arg29: memref<640xf32, #tpu.memory_space<vmem>>, %arg30: memref<!tpu.dma_semaphore, #tpu.memory_space<semaphore_mem>>, %arg31: memref<!tpu.dma_semaphore, #tpu.memory_space<semaphore_mem>>) attributes {dimension_semantics = [#tpu.dimension_semantics<core_parallel>, #tpu.dimension_semantics<subcore_parallel>], iteration_bounds = array<i64: 2, 16>, scalar_prefetch = 0 : i64, scratch_operands = 24 : i64, tpu.core_type = #tpu.core_type<sc_vector_subcore>, window_params = [{transform_indices = #map}, {transform_indices = #map}, {transform_indices = #map}, {transform_indices = #map}, {transform_indices = #map}, {transform_indices = #map}]} {
    %mul3A = arith.constant 2 : i32
    %mul3A_0 = arith.muli %arg1, %mul3A : i32
    %add3A = arith.addi %mul3A_0, %arg0 : i32
    %mul3A_1 = arith.constant 640 : i32
    %mul3A_2 = arith.muli %add3A, %mul3A_1 : i32
    %min3A = arith.constant 19360 : i32
    %min3A_3 = arith.minsi %mul3A_2, %min3A : i32
    %add3A_4 = arith.constant 0 : i32
    %add3A_5 = arith.addi %add3A_4, %min3A_3 : i32
    %dma_start3A = tpu.memref_slice %arg2[%add3A_5] : memref<80000xf32, #tpu.memory_space<hbm>> -> memref<640xf32, #tpu.memory_space<hbm>>
    %dma_start3A_6 = tpu.memref_slice %arg2[%add3A_5] : memref<80000xf32, #tpu.memory_space<hbm>> -> memref<640xf32, #tpu.memory_space<hbm>>
    tpu.enqueue_dma source(%dma_start3A_6 : memref<640xf32, #tpu.memory_space<hbm>>) target(%arg8 : memref<640xf32, #tpu.memory_space<vmem>>) target_semaphore(%arg30 : memref<!tpu.dma_semaphore, #tpu.memory_space<semaphore_mem>>)
    %add3A_7 = arith.constant 20000 : i32
    %add3A_8 = arith.addi %add3A_7, %min3A_3 : i32
    %dma_start3A_9 = tpu.memref_slice %arg2[%add3A_8] : memref<80000xf32, #tpu.memory_space<hbm>> -> memref<640xf32, #tpu.memory_space<hbm>>
    %dma_start3A_10 = tpu.memref_slice %arg2[%add3A_8] : memref<80000xf32, #tpu.memory_space<hbm>> -> memref<640xf32, #tpu.memory_space<hbm>>
    tpu.enqueue_dma source(%dma_start3A_10 : memref<640xf32, #tpu.memory_space<hbm>>) target(%arg9 : memref<640xf32, #tpu.memory_space<vmem>>) target_semaphore(%arg30 : memref<!tpu.dma_semaphore, #tpu.memory_space<semaphore_mem>>)
    %add3A_11 = arith.constant 40000 : i32
    %add3A_12 = arith.addi %add3A_11, %min3A_3 : i32
    %dma_start3A_13 = tpu.memref_slice %arg2[%add3A_12] : memref<80000xf32, #tpu.memory_space<hbm>> -> memref<640xf32, #tpu.memory_space<hbm>>
    %dma_start3A_14 = tpu.memref_slice %arg2[%add3A_12] : memref<80000xf32, #tpu.memory_space<hbm>> -> memref<640xf32, #tpu.memory_space<hbm>>
    tpu.enqueue_dma source(%dma_start3A_14 : memref<640xf32, #tpu.memory_space<hbm>>) target(%arg10 : memref<640xf32, #tpu.memory_space<vmem>>) target_semaphore(%arg30 : memref<!tpu.dma_semaphore, #tpu.memory_space<semaphore_mem>>)
    %add3A_15 = arith.constant 60000 : i32
    %add3A_16 = arith.addi %add3A_15, %min3A_3 : i32
    %dma_start3A_17 = tpu.memref_slice %arg2[%add3A_16] : memref<80000xf32, #tpu.memory_space<hbm>> -> memref<640xf32, #tpu.memory_space<hbm>>
    %dma_start3A_18 = tpu.memref_slice %arg2[%add3A_16] : memref<80000xf32, #tpu.memory_space<hbm>> -> memref<640xf32, #tpu.memory_space<hbm>>
    tpu.enqueue_dma source(%dma_start3A_18 : memref<640xf32, #tpu.memory_space<hbm>>) target(%arg11 : memref<640xf32, #tpu.memory_space<vmem>>) target_semaphore(%arg30 : memref<!tpu.dma_semaphore, #tpu.memory_space<semaphore_mem>>)
    %dma_start3A_19 = arith.constant 0 : i32
    %dma_start3A_20 = tpu.memref_slice %arg3[%dma_start3A_19] : memref<512xf32, #tpu.memory_space<hbm>> -> memref<128xf32, #tpu.memory_space<hbm>>
    %dma_start3A_21 = arith.constant 0 : i32
    %dma_start3A_22 = tpu.memref_slice %arg3[%dma_start3A_21] : memref<512xf32, #tpu.memory_space<hbm>> -> memref<128xf32, #tpu.memory_space<hbm>>
    tpu.enqueue_dma source(%dma_start3A_22 : memref<128xf32, #tpu.memory_space<hbm>>) target(%arg16 : memref<128xf32, #tpu.memory_space<vmem>>) target_semaphore(%arg30 : memref<!tpu.dma_semaphore, #tpu.memory_space<semaphore_mem>>)
    %dma_start3A_23 = arith.constant 128 : i32
    %dma_start3A_24 = tpu.memref_slice %arg3[%dma_start3A_23] : memref<512xf32, #tpu.memory_space<hbm>> -> memref<128xf32, #tpu.memory_space<hbm>>
    %dma_start3A_25 = arith.constant 128 : i32
    %dma_start3A_26 = tpu.memref_slice %arg3[%dma_start3A_25] : memref<512xf32, #tpu.memory_space<hbm>> -> memref<128xf32, #tpu.memory_space<hbm>>
    tpu.enqueue_dma source(%dma_start3A_26 : memref<128xf32, #tpu.memory_space<hbm>>) target(%arg17 : memref<128xf32, #tpu.memory_space<vmem>>) target_semaphore(%arg30 : memref<!tpu.dma_semaphore, #tpu.memory_space<semaphore_mem>>)
    %dma_start3A_27 = arith.constant 256 : i32
    %dma_start3A_28 = tpu.memref_slice %arg3[%dma_start3A_27] : memref<512xf32, #tpu.memory_space<hbm>> -> memref<128xf32, #tpu.memory_space<hbm>>
    %dma_start3A_29 = arith.constant 256 : i32
    %dma_start3A_30 = tpu.memref_slice %arg3[%dma_start3A_29] : memref<512xf32, #tpu.memory_space<hbm>> -> memref<128xf32, #tpu.memory_space<hbm>>
    tpu.enqueue_dma source(%dma_start3A_30 : memref<128xf32, #tpu.memory_space<hbm>>) target(%arg18 : memref<128xf32, #tpu.memory_space<vmem>>) target_semaphore(%arg30 : memref<!tpu.dma_semaphore, #tpu.memory_space<semaphore_mem>>)
    %dma_start3A_31 = arith.constant 384 : i32
    %dma_start3A_32 = tpu.memref_slice %arg3[%dma_start3A_31] : memref<512xf32, #tpu.memory_space<hbm>> -> memref<128xf32, #tpu.memory_space<hbm>>
    %dma_start3A_33 = arith.constant 384 : i32
    %dma_start3A_34 = tpu.memref_slice %arg3[%dma_start3A_33] : memref<512xf32, #tpu.memory_space<hbm>> -> memref<128xf32, #tpu.memory_space<hbm>>
    tpu.enqueue_dma source(%dma_start3A_34 : memref<128xf32, #tpu.memory_space<hbm>>) target(%arg19 : memref<128xf32, #tpu.memory_space<vmem>>) target_semaphore(%arg30 : memref<!tpu.dma_semaphore, #tpu.memory_space<semaphore_mem>>)
    %add3A_35 = arith.constant 0 : i32
    %add3A_36 = arith.addi %add3A_35, %min3A_3 : i32
    %dma_start3A_37 = tpu.memref_slice %arg4[%add3A_36] : memref<80000xf32, #tpu.memory_space<hbm>> -> memref<640xf32, #tpu.memory_space<hbm>>
    %dma_start3A_38 = tpu.memref_slice %arg4[%add3A_36] : memref<80000xf32, #tpu.memory_space<hbm>> -> memref<640xf32, #tpu.memory_space<hbm>>
    tpu.enqueue_dma source(%dma_start3A_38 : memref<640xf32, #tpu.memory_space<hbm>>) target(%arg12 : memref<640xf32, #tpu.memory_space<vmem>>) target_semaphore(%arg30 : memref<!tpu.dma_semaphore, #tpu.memory_space<semaphore_mem>>)
    %add3A_39 = arith.constant 20000 : i32
    %add3A_40 = arith.addi %add3A_39, %min3A_3 : i32
    %dma_start3A_41 = tpu.memref_slice %arg4[%add3A_40] : memref<80000xf32, #tpu.memory_space<hbm>> -> memref<640xf32, #tpu.memory_space<hbm>>
    %dma_start3A_42 = tpu.memref_slice %arg4[%add3A_40] : memref<80000xf32, #tpu.memory_space<hbm>> -> memref<640xf32, #tpu.memory_space<hbm>>
    tpu.enqueue_dma source(%dma_start3A_42 : memref<640xf32, #tpu.memory_space<hbm>>) target(%arg13 : memref<640xf32, #tpu.memory_space<vmem>>) target_semaphore(%arg30 : memref<!tpu.dma_semaphore, #tpu.memory_space<semaphore_mem>>)
    %add3A_43 = arith.constant 40000 : i32
    %add3A_44 = arith.addi %add3A_43, %min3A_3 : i32
    %dma_start3A_45 = tpu.memref_slice %arg4[%add3A_44] : memref<80000xf32, #tpu.memory_space<hbm>> -> memref<640xf32, #tpu.memory_space<hbm>>
    %dma_start3A_46 = tpu.memref_slice %arg4[%add3A_44] : memref<80000xf32, #tpu.memory_space<hbm>> -> memref<640xf32, #tpu.memory_space<hbm>>
    tpu.enqueue_dma source(%dma_start3A_46 : memref<640xf32, #tpu.memory_space<hbm>>) target(%arg14 : memref<640xf32, #tpu.memory_space<vmem>>) target_semaphore(%arg30 : memref<!tpu.dma_semaphore, #tpu.memory_space<semaphore_mem>>)
    %add3A_47 = arith.constant 60000 : i32
    %add3A_48 = arith.addi %add3A_47, %min3A_3 : i32
    %dma_start3A_49 = tpu.memref_slice %arg4[%add3A_48] : memref<80000xf32, #tpu.memory_space<hbm>> -> memref<640xf32, #tpu.memory_space<hbm>>
    %dma_start3A_50 = tpu.memref_slice %arg4[%add3A_48] : memref<80000xf32, #tpu.memory_space<hbm>> -> memref<640xf32, #tpu.memory_space<hbm>>
    tpu.enqueue_dma source(%dma_start3A_50 : memref<640xf32, #tpu.memory_space<hbm>>) target(%arg15 : memref<640xf32, #tpu.memory_space<vmem>>) target_semaphore(%arg30 : memref<!tpu.dma_semaphore, #tpu.memory_space<semaphore_mem>>)
    %dma_wait3A = tpu.memref_slice %arg2[%add3A_5] : memref<80000xf32, #tpu.memory_space<hbm>> -> memref<640xf32, #tpu.memory_space<hbm>>
    %dma_wait3A_51 = tpu.memref_slice %arg2[%add3A_5] : memref<80000xf32, #tpu.memory_space<hbm>> -> memref<640xf32, #tpu.memory_space<hbm>>
    tpu.wait_dma2 semaphore(%arg30 : memref<!tpu.dma_semaphore, #tpu.memory_space<semaphore_mem>>) src(%dma_wait3A_51 : memref<640xf32, #tpu.memory_space<hbm>>) dst(%arg8 : memref<640xf32, #tpu.memory_space<vmem>>)
    %dma_wait3A_52 = tpu.memref_slice %arg2[%add3A_8] : memref<80000xf32, #tpu.memory_space<hbm>> -> memref<640xf32, #tpu.memory_space<hbm>>
    %dma_wait3A_53 = tpu.memref_slice %arg2[%add3A_8] : memref<80000xf32, #tpu.memory_space<hbm>> -> memref<640xf32, #tpu.memory_space<hbm>>
    tpu.wait_dma2 semaphore(%arg30 : memref<!tpu.dma_semaphore, #tpu.memory_space<semaphore_mem>>) src(%dma_wait3A_53 : memref<640xf32, #tpu.memory_space<hbm>>) dst(%arg9 : memref<640xf32, #tpu.memory_space<vmem>>)
    %dma_wait3A_54 = tpu.memref_slice %arg2[%add3A_12] : memref<80000xf32, #tpu.memory_space<hbm>> -> memref<640xf32, #tpu.memory_space<hbm>>
    %dma_wait3A_55 = tpu.memref_slice %arg2[%add3A_12] : memref<80000xf32, #tpu.memory_space<hbm>> -> memref<640xf32, #tpu.memory_space<hbm>>
    tpu.wait_dma2 semaphore(%arg30 : memref<!tpu.dma_semaphore, #tpu.memory_space<semaphore_mem>>) src(%dma_wait3A_55 : memref<640xf32, #tpu.memory_space<hbm>>) dst(%arg10 : memref<640xf32, #tpu.memory_space<vmem>>)
    %dma_wait3A_56 = tpu.memref_slice %arg2[%add3A_16] : memref<80000xf32, #tpu.memory_space<hbm>> -> memref<640xf32, #tpu.memory_space<hbm>>
    %dma_wait3A_57 = tpu.memref_slice %arg2[%add3A_16] : memref<80000xf32, #tpu.memory_space<hbm>> -> memref<640xf32, #tpu.memory_space<hbm>>
    tpu.wait_dma2 semaphore(%arg30 : memref<!tpu.dma_semaphore, #tpu.memory_space<semaphore_mem>>) src(%dma_wait3A_57 : memref<640xf32, #tpu.memory_space<hbm>>) dst(%arg11 : memref<640xf32, #tpu.memory_space<vmem>>)
    %dma_wait3A_58 = arith.constant 0 : i32
    %dma_wait3A_59 = tpu.memref_slice %arg3[%dma_wait3A_58] : memref<512xf32, #tpu.memory_space<hbm>> -> memref<128xf32, #tpu.memory_space<hbm>>
    %dma_wait3A_60 = arith.constant 0 : i32
    %dma_wait3A_61 = tpu.memref_slice %arg3[%dma_wait3A_60] : memref<512xf32, #tpu.memory_space<hbm>> -> memref<128xf32, #tpu.memory_space<hbm>>
    tpu.wait_dma2 semaphore(%arg30 : memref<!tpu.dma_semaphore, #tpu.memory_space<semaphore_mem>>) src(%dma_wait3A_61 : memref<128xf32, #tpu.memory_space<hbm>>) dst(%arg16 : memref<128xf32, #tpu.memory_space<vmem>>)
    %dma_wait3A_62 = arith.constant 128 : i32
    %dma_wait3A_63 = tpu.memref_slice %arg3[%dma_wait3A_62] : memref<512xf32, #tpu.memory_space<hbm>> -> memref<128xf32, #tpu.memory_space<hbm>>
    %dma_wait3A_64 = arith.constant 128 : i32
    %dma_wait3A_65 = tpu.memref_slice %arg3[%dma_wait3A_64] : memref<512xf32, #tpu.memory_space<hbm>> -> memref<128xf32, #tpu.memory_space<hbm>>
    tpu.wait_dma2 semaphore(%arg30 : memref<!tpu.dma_semaphore, #tpu.memory_space<semaphore_mem>>) src(%dma_wait3A_65 : memref<128xf32, #tpu.memory_space<hbm>>) dst(%arg17 : memref<128xf32, #tpu.memory_space<vmem>>)
    %dma_wait3A_66 = arith.constant 256 : i32
    %dma_wait3A_67 = tpu.memref_slice %arg3[%dma_wait3A_66] : memref<512xf32, #tpu.memory_space<hbm>> -> memref<128xf32, #tpu.memory_space<hbm>>
    %dma_wait3A_68 = arith.constant 256 : i32
    %dma_wait3A_69 = tpu.memref_slice %arg3[%dma_wait3A_68] : memref<512xf32, #tpu.memory_space<hbm>> -> memref<128xf32, #tpu.memory_space<hbm>>
    tpu.wait_dma2 semaphore(%arg30 : memref<!tpu.dma_semaphore, #tpu.memory_space<semaphore_mem>>) src(%dma_wait3A_69 : memref<128xf32, #tpu.memory_space<hbm>>) dst(%arg18 : memref<128xf32, #tpu.memory_space<vmem>>)
    %dma_wait3A_70 = arith.constant 384 : i32
    %dma_wait3A_71 = tpu.memref_slice %arg3[%dma_wait3A_70] : memref<512xf32, #tpu.memory_space<hbm>> -> memref<128xf32, #tpu.memory_space<hbm>>
    %dma_wait3A_72 = arith.constant 384 : i32
    %dma_wait3A_73 = tpu.memref_slice %arg3[%dma_wait3A_72] : memref<512xf32, #tpu.memory_space<hbm>> -> memref<128xf32, #tpu.memory_space<hbm>>
    tpu.wait_dma2 semaphore(%arg30 : memref<!tpu.dma_semaphore, #tpu.memory_space<semaphore_mem>>) src(%dma_wait3A_73 : memref<128xf32, #tpu.memory_space<hbm>>) dst(%arg19 : memref<128xf32, #tpu.memory_space<vmem>>)
    %dma_wait3A_74 = tpu.memref_slice %arg4[%add3A_36] : memref<80000xf32, #tpu.memory_space<hbm>> -> memref<640xf32, #tpu.memory_space<hbm>>
    %dma_wait3A_75 = tpu.memref_slice %arg4[%add3A_36] : memref<80000xf32, #tpu.memory_space<hbm>> -> memref<640xf32, #tpu.memory_space<hbm>>
    tpu.wait_dma2 semaphore(%arg30 : memref<!tpu.dma_semaphore, #tpu.memory_space<semaphore_mem>>) src(%dma_wait3A_75 : memref<640xf32, #tpu.memory_space<hbm>>) dst(%arg12 : memref<640xf32, #tpu.memory_space<vmem>>)
    %dma_wait3A_76 = tpu.memref_slice %arg4[%add3A_40] : memref<80000xf32, #tpu.memory_space<hbm>> -> memref<640xf32, #tpu.memory_space<hbm>>
    %dma_wait3A_77 = tpu.memref_slice %arg4[%add3A_40] : memref<80000xf32, #tpu.memory_space<hbm>> -> memref<640xf32, #tpu.memory_space<hbm>>
    tpu.wait_dma2 semaphore(%arg30 : memref<!tpu.dma_semaphore, #tpu.memory_space<semaphore_mem>>) src(%dma_wait3A_77 : memref<640xf32, #tpu.memory_space<hbm>>) dst(%arg13 : memref<640xf32, #tpu.memory_space<vmem>>)
    %dma_wait3A_78 = tpu.memref_slice %arg4[%add3A_44] : memref<80000xf32, #tpu.memory_space<hbm>> -> memref<640xf32, #tpu.memory_space<hbm>>
    %dma_wait3A_79 = tpu.memref_slice %arg4[%add3A_44] : memref<80000xf32, #tpu.memory_space<hbm>> -> memref<640xf32, #tpu.memory_space<hbm>>
    tpu.wait_dma2 semaphore(%arg30 : memref<!tpu.dma_semaphore, #tpu.memory_space<semaphore_mem>>) src(%dma_wait3A_79 : memref<640xf32, #tpu.memory_space<hbm>>) dst(%arg14 : memref<640xf32, #tpu.memory_space<vmem>>)
    %dma_wait3A_80 = tpu.memref_slice %arg4[%add3A_48] : memref<80000xf32, #tpu.memory_space<hbm>> -> memref<640xf32, #tpu.memory_space<hbm>>
    %dma_wait3A_81 = tpu.memref_slice %arg4[%add3A_48] : memref<80000xf32, #tpu.memory_space<hbm>> -> memref<640xf32, #tpu.memory_space<hbm>>
    tpu.wait_dma2 semaphore(%arg30 : memref<!tpu.dma_semaphore, #tpu.memory_space<semaphore_mem>>) src(%dma_wait3A_81 : memref<640xf32, #tpu.memory_space<hbm>>) dst(%arg15 : memref<640xf32, #tpu.memory_space<vmem>>)
    %iota3A = tpu.iota {dimensions = array<i32: 0>} : vector<16xi32>
    %get3A = arith.constant 0 : index
    %get3A_82 = tpu.vector_load %arg18[%get3A] {strides = array<i32>} : memref<128xf32, #tpu.memory_space<vmem>>, vector<16xf32>,
    %get3A_83 = arith.constant 0 : index
    %get3A_84 = tpu.vector_load %arg16[%get3A_83] {strides = array<i32>} : memref<128xf32, #tpu.memory_space<vmem>>, vector<16xf32>,
    %sub3A = arith.subf %get3A_82, %get3A_84 : vector<16xf32>
    %get3A_85 = arith.constant 0 : index
    %get3A_86 = tpu.vector_load %arg19[%get3A_85] {strides = array<i32>} : memref<128xf32, #tpu.memory_space<vmem>>, vector<16xf32>,
    %get3A_87 = arith.constant 0 : index
    %get3A_88 = tpu.vector_load %arg17[%get3A_87] {strides = array<i32>} : memref<128xf32, #tpu.memory_space<vmem>>, vector<16xf32>,
    %sub3A_89 = arith.subf %get3A_86, %get3A_88 : vector<16xf32>
    %mul3A_90 = arith.mulf %sub3A, %sub3A_89 : vector<16xf32>
    %swap3A = arith.constant 0 : index
    %swap3A_91 = tpu.vector_load %arg20[%swap3A] {strides = array<i32>} : memref<128xf32, #tpu.memory_space<vmem>>, vector<16xf32>,
    tpu.vector_store %arg20[%swap3A], %mul3A_90 {strides = array<i32>} : memref<128xf32, #tpu.memory_space<vmem>>, vector<16xf32>,
    %get3A_92 = arith.constant 16 : index
    %get3A_93 = tpu.vector_load %arg18[%get3A_92] {strides = array<i32>} : memref<128xf32, #tpu.memory_space<vmem>>, vector<16xf32>,
    %get3A_94 = arith.constant 16 : index
    %get3A_95 = tpu.vector_load %arg16[%get3A_94] {strides = array<i32>} : memref<128xf32, #tpu.memory_space<vmem>>, vector<16xf32>,
    %sub3A_96 = arith.subf %get3A_93, %get3A_95 : vector<16xf32>
    %get3A_97 = arith.constant 16 : index
    %get3A_98 = tpu.vector_load %arg19[%get3A_97] {strides = array<i32>} : memref<128xf32, #tpu.memory_space<vmem>>, vector<16xf32>,
    %get3A_99 = arith.constant 16 : index
    %get3A_100 = tpu.vector_load %arg17[%get3A_99] {strides = array<i32>} : memref<128xf32, #tpu.memory_space<vmem>>, vector<16xf32>,
    %sub3A_101 = arith.subf %get3A_98, %get3A_100 : vector<16xf32>
    %mul3A_102 = arith.mulf %sub3A_96, %sub3A_101 : vector<16xf32>
    %swap3A_103 = arith.constant 16 : index
    %swap3A_104 = tpu.vector_load %arg20[%swap3A_103] {strides = array<i32>} : memref<128xf32, #tpu.memory_space<vmem>>, vector<16xf32>,
    tpu.vector_store %arg20[%swap3A_103], %mul3A_102 {strides = array<i32>} : memref<128xf32, #tpu.memory_space<vmem>>, vector<16xf32>,
    %get3A_105 = arith.constant 32 : index
    %get3A_106 = tpu.vector_load %arg18[%get3A_105] {strides = array<i32>} : memref<128xf32, #tpu.memory_space<vmem>>, vector<16xf32>,
    %get3A_107 = arith.constant 32 : index
    %get3A_108 = tpu.vector_load %arg16[%get3A_107] {strides = array<i32>} : memref<128xf32, #tpu.memory_space<vmem>>, vector<16xf32>,
    %sub3A_109 = arith.subf %get3A_106, %get3A_108 : vector<16xf32>
    %get3A_110 = arith.constant 32 : index
    %get3A_111 = tpu.vector_load %arg19[%get3A_110] {strides = array<i32>} : memref<128xf32, #tpu.memory_space<vmem>>, vector<16xf32>,
    %get3A_112 = arith.constant 32 : index
    %get3A_113 = tpu.vector_load %arg17[%get3A_112] {strides = array<i32>} : memref<128xf32, #tpu.memory_space<vmem>>, vector<16xf32>,
    %sub3A_114 = arith.subf %get3A_111, %get3A_113 : vector<16xf32>
    %mul3A_115 = arith.mulf %sub3A_109, %sub3A_114 : vector<16xf32>
    %swap3A_116 = arith.constant 32 : index
    %swap3A_117 = tpu.vector_load %arg20[%swap3A_116] {strides = array<i32>} : memref<128xf32, #tpu.memory_space<vmem>>, vector<16xf32>,
    tpu.vector_store %arg20[%swap3A_116], %mul3A_115 {strides = array<i32>} : memref<128xf32, #tpu.memory_space<vmem>>, vector<16xf32>,
    %get3A_118 = arith.constant 48 : index
    %get3A_119 = tpu.vector_load %arg18[%get3A_118] {strides = array<i32>} : memref<128xf32, #tpu.memory_space<vmem>>, vector<16xf32>,
    %get3A_120 = arith.constant 48 : index
    %get3A_121 = tpu.vector_load %arg16[%get3A_120] {strides = array<i32>} : memref<128xf32, #tpu.memory_space<vmem>>, vector<16xf32>,
    %sub3A_122 = arith.subf %get3A_119, %get3A_121 : vector<16xf32>
    %get3A_123 = arith.constant 48 : index
    %get3A_124 = tpu.vector_load %arg19[%get3A_123] {strides = array<i32>} : memref<128xf32, #tpu.memory_space<vmem>>, vector<16xf32>,
    %get3A_125 = arith.constant 48 : index
    %get3A_126 = tpu.vector_load %arg17[%get3A_125] {strides = array<i32>} : memref<128xf32, #tpu.memory_space<vmem>>, vector<16xf32>,
    %sub3A_127 = arith.subf %get3A_124, %get3A_126 : vector<16xf32>
    %mul3A_128 = arith.mulf %sub3A_122, %sub3A_127 : vector<16xf32>
    %swap3A_129 = arith.constant 48 : index
    %swap3A_130 = tpu.vector_load %arg20[%swap3A_129] {strides = array<i32>} : memref<128xf32, #tpu.memory_space<vmem>>, vector<16xf32>,
    tpu.vector_store %arg20[%swap3A_129], %mul3A_128 {strides = array<i32>} : memref<128xf32, #tpu.memory_space<vmem>>, vector<16xf32>,
    %get3A_131 = arith.constant 64 : index
    %get3A_132 = tpu.vector_load %arg18[%get3A_131] {strides = array<i32>} : memref<128xf32, #tpu.memory_space<vmem>>, vector<16xf32>,
    %get3A_133 = arith.constant 64 : index
    %get3A_134 = tpu.vector_load %arg16[%get3A_133] {strides = array<i32>} : memref<128xf32, #tpu.memory_space<vmem>>, vector<16xf32>,
    %sub3A_135 = arith.subf %get3A_132, %get3A_134 : vector<16xf32>
    %get3A_136 = arith.constant 64 : index
    %get3A_137 = tpu.vector_load %arg19[%get3A_136] {strides = array<i32>} : memref<128xf32, #tpu.memory_space<vmem>>, vector<16xf32>,
    %get3A_138 = arith.constant 64 : index
    %get3A_139 = tpu.vector_load %arg17[%get3A_138] {strides = array<i32>} : memref<128xf32, #tpu.memory_space<vmem>>, vector<16xf32>,
    %sub3A_140 = arith.subf %get3A_137, %get3A_139 : vector<16xf32>
    %mul3A_141 = arith.mulf %sub3A_135, %sub3A_140 : vector<16xf32>
    %swap3A_142 = arith.constant 64 : index
    %swap3A_143 = tpu.vector_load %arg20[%swap3A_142] {strides = array<i32>} : memref<128xf32, #tpu.memory_space<vmem>>, vector<16xf32>,
    tpu.vector_store %arg20[%swap3A_142], %mul3A_141 {strides = array<i32>} : memref<128xf32, #tpu.memory_space<vmem>>, vector<16xf32>,
    %get3A_144 = arith.constant 80 : index
    %get3A_145 = tpu.vector_load %arg18[%get3A_144] {strides = array<i32>} : memref<128xf32, #tpu.memory_space<vmem>>, vector<16xf32>,
    %get3A_146 = arith.constant 80 : index
    %get3A_147 = tpu.vector_load %arg16[%get3A_146] {strides = array<i32>} : memref<128xf32, #tpu.memory_space<vmem>>, vector<16xf32>,
    %sub3A_148 = arith.subf %get3A_145, %get3A_147 : vector<16xf32>
    %get3A_149 = arith.constant 80 : index
    %get3A_150 = tpu.vector_load %arg19[%get3A_149] {strides = array<i32>} : memref<128xf32, #tpu.memory_space<vmem>>, vector<16xf32>,
    %get3A_151 = arith.constant 80 : index
    %get3A_152 = tpu.vector_load %arg17[%get3A_151] {strides = array<i32>} : memref<128xf32, #tpu.memory_space<vmem>>, vector<16xf32>,
    %sub3A_153 = arith.subf %get3A_150, %get3A_152 : vector<16xf32>
    %mul3A_154 = arith.mulf %sub3A_148, %sub3A_153 : vector<16xf32>
    %swap3A_155 = arith.constant 80 : index
    %swap3A_156 = tpu.vector_load %arg20[%swap3A_155] {strides = array<i32>} : memref<128xf32, #tpu.memory_space<vmem>>, vector<16xf32>,
    tpu.vector_store %arg20[%swap3A_155], %mul3A_154 {strides = array<i32>} : memref<128xf32, #tpu.memory_space<vmem>>, vector<16xf32>,
    %get3A_157 = arith.constant 96 : index
    %get3A_158 = tpu.vector_load %arg18[%get3A_157] {strides = array<i32>} : memref<128xf32, #tpu.memory_space<vmem>>, vector<16xf32>,
    %get3A_159 = arith.constant 96 : index
    %get3A_160 = tpu.vector_load %arg16[%get3A_159] {strides = array<i32>} : memref<128xf32, #tpu.memory_space<vmem>>, vector<16xf32>,
    %sub3A_161 = arith.subf %get3A_158, %get3A_160 : vector<16xf32>
    %get3A_162 = arith.constant 96 : index
    %get3A_163 = tpu.vector_load %arg19[%get3A_162] {strides = array<i32>} : memref<128xf32, #tpu.memory_space<vmem>>, vector<16xf32>,
    %get3A_164 = arith.constant 96 : index
    %get3A_165 = tpu.vector_load %arg17[%get3A_164] {strides = array<i32>} : memref<128xf32, #tpu.memory_space<vmem>>, vector<16xf32>,
    %sub3A_166 = arith.subf %get3A_163, %get3A_165 : vector<16xf32>
    %mul3A_167 = arith.mulf %sub3A_161, %sub3A_166 : vector<16xf32>
    %swap3A_168 = arith.constant 96 : index
    %swap3A_169 = tpu.vector_load %arg20[%swap3A_168] {strides = array<i32>} : memref<128xf32, #tpu.memory_space<vmem>>, vector<16xf32>,
    tpu.vector_store %arg20[%swap3A_168], %mul3A_167 {strides = array<i32>} : memref<128xf32, #tpu.memory_space<vmem>>, vector<16xf32>,
    %get3A_170 = arith.constant 112 : index
    %get3A_171 = tpu.vector_load %arg18[%get3A_170] {strides = array<i32>} : memref<128xf32, #tpu.memory_space<vmem>>, vector<16xf32>,
    %get3A_172 = arith.constant 112 : index
    %get3A_173 = tpu.vector_load %arg16[%get3A_172] {strides = array<i32>} : memref<128xf32, #tpu.memory_space<vmem>>, vector<16xf32>,
    %sub3A_174 = arith.subf %get3A_171, %get3A_173 : vector<16xf32>
    %get3A_175 = arith.constant 112 : index
    %get3A_176 = tpu.vector_load %arg19[%get3A_175] {strides = array<i32>} : memref<128xf32, #tpu.memory_space<vmem>>, vector<16xf32>,
    %get3A_177 = arith.constant 112 : index
    %get3A_178 = tpu.vector_load %arg17[%get3A_177] {strides = array<i32>} : memref<128xf32, #tpu.memory_space<vmem>>, vector<16xf32>,
    %sub3A_179 = arith.subf %get3A_176, %get3A_178 : vector<16xf32>
    %mul3A_180 = arith.mulf %sub3A_174, %sub3A_179 : vector<16xf32>
    %swap3A_181 = arith.constant 112 : index
    %swap3A_182 = tpu.vector_load %arg20[%swap3A_181] {strides = array<i32>} : memref<128xf32, #tpu.memory_space<vmem>>, vector<16xf32>,
    tpu.vector_store %arg20[%swap3A_181], %mul3A_180 {strides = array<i32>} : memref<128xf32, #tpu.memory_space<vmem>>, vector<16xf32>,
    %scan3A = arith.constant 0 : i32
    %scan3A_183 = arith.constant 0 : i32
    %scan3A_184 = arith.constant 10 : i32
    %scan3A_185 = arith.addi %scan3A_183, %scan3A_184 : i32
    %scan3A_186 = arith.constant 1 : i32
    scf.for %scan3A_240 = %scan3A_183 to %scan3A_185 step %scan3A_186  : i32 {
      %mul3A_241 = arith.constant 64 : i32
      %mul3A_242 = arith.muli %scan3A_240, %mul3A_241 : i32
      %add3A_243 = arith.constant 0 : i32
      %add3A_244 = arith.addi %mul3A_242, %add3A_243 : i32
      %mul3A_245 = arith.constant 64 : i32
      %mul3A_246 = arith.muli %scan3A_240, %mul3A_245 : i32
      %add3A_247 = arith.constant 16 : i32
      %add3A_248 = arith.addi %mul3A_246, %add3A_247 : i32
      %mul3A_249 = arith.constant 64 : i32
      %mul3A_250 = arith.muli %scan3A_240, %mul3A_249 : i32
      %add3A_251 = arith.constant 32 : i32
      %add3A_252 = arith.addi %mul3A_250, %add3A_251 : i32
      %mul3A_253 = arith.constant 64 : i32
      %mul3A_254 = arith.muli %scan3A_240, %mul3A_253 : i32
      %add3A_255 = arith.constant 48 : i32
      %add3A_256 = arith.addi %mul3A_254, %add3A_255 : i32
      %get3A_257 = arith.index_cast %add3A_244 : i32 to index
      %get3A_258 = tpu.vector_load %arg8[%get3A_257] {strides = array<i32>} : memref<640xf32, #tpu.memory_space<vmem>>, vector<16xf32>,
      %get3A_259 = arith.index_cast %add3A_244 : i32 to index
      %get3A_260 = tpu.vector_load %arg9[%get3A_259] {strides = array<i32>} : memref<640xf32, #tpu.memory_space<vmem>>, vector<16xf32>,
      %get3A_261 = arith.index_cast %add3A_244 : i32 to index
      %get3A_262 = tpu.vector_load %arg10[%get3A_261] {strides = array<i32>} : memref<640xf32, #tpu.memory_space<vmem>>, vector<16xf32>,
      %get3A_263 = arith.index_cast %add3A_244 : i32 to index
      %get3A_264 = tpu.vector_load %arg11[%get3A_263] {strides = array<i32>} : memref<640xf32, #tpu.memory_space<vmem>>, vector<16xf32>,
      %get3A_265 = arith.index_cast %add3A_248 : i32 to index
      %get3A_266 = tpu.vector_load %arg8[%get3A_265] {strides = array<i32>} : memref<640xf32, #tpu.memory_space<vmem>>, vector<16xf32>,
      %get3A_267 = arith.index_cast %add3A_248 : i32 to index
      %get3A_268 = tpu.vector_load %arg9[%get3A_267] {strides = array<i32>} : memref<640xf32, #tpu.memory_space<vmem>>, vector<16xf32>,
      %get3A_269 = arith.index_cast %add3A_248 : i32 to index
      %get3A_270 = tpu.vector_load %arg10[%get3A_269] {strides = array<i32>} : memref<640xf32, #tpu.memory_space<vmem>>, vector<16xf32>,
      %get3A_271 = arith.index_cast %add3A_248 : i32 to index
      %get3A_272 = tpu.vector_load %arg11[%get3A_271] {strides = array<i32>} : memref<640xf32, #tpu.memory_space<vmem>>, vector<16xf32>,
      %get3A_273 = arith.index_cast %add3A_252 : i32 to index
      %get3A_274 = tpu.vector_load %arg8[%get3A_273] {strides = array<i32>} : memref<640xf32, #tpu.memory_space<vmem>>, vector<16xf32>,
      %get3A_275 = arith.index_cast %add3A_252 : i32 to index
      %get3A_276 = tpu.vector_load %arg9[%get3A_275] {strides = array<i32>} : memref<640xf32, #tpu.memory_space<vmem>>, vector<16xf32>,
      %get3A_277 = arith.index_cast %add3A_252 : i32 to index
      %get3A_278 = tpu.vector_load %arg10[%get3A_277] {strides = array<i32>} : memref<640xf32, #tpu.memory_space<vmem>>, vector<16xf32>,
      %get3A_279 = arith.index_cast %add3A_252 : i32 to index
      %get3A_280 = tpu.vector_load %arg11[%get3A_279] {strides = array<i32>} : memref<640xf32, #tpu.memory_space<vmem>>, vector<16xf32>,
      %get3A_281 = arith.index_cast %add3A_256 : i32 to index
      %get3A_282 = tpu.vector_load %arg8[%get3A_281] {strides = array<i32>} : memref<640xf32, #tpu.memory_space<vmem>>, vector<16xf32>,
      %get3A_283 = arith.index_cast %add3A_256 : i32 to index
      %get3A_284 = tpu.vector_load %arg9[%get3A_283] {strides = array<i32>} : memref<640xf32, #tpu.memory_space<vmem>>, vector<16xf32>,
      %get3A_285 = arith.index_cast %add3A_256 : i32 to index
      %get3A_286 = tpu.vector_load %arg10[%get3A_285] {strides = array<i32>} : memref<640xf32, #tpu.memory_space<vmem>>, vector<16xf32>,
      %get3A_287 = arith.index_cast %add3A_256 : i32 to index
      %get3A_288 = tpu.vector_load %arg11[%get3A_287] {strides = array<i32>} : memref<640xf32, #tpu.memory_space<vmem>>, vector<16xf32>,
      %sub3A_289 = arith.subf %get3A_262, %get3A_258 : vector<16xf32>
      %sub3A_290 = arith.subf %get3A_264, %get3A_260 : vector<16xf32>
      %mul3A_291 = arith.mulf %sub3A_289, %sub3A_290 : vector<16xf32>
      %sub3A_292 = arith.subf %get3A_270, %get3A_266 : vector<16xf32>
      %sub3A_293 = arith.subf %get3A_272, %get3A_268 : vector<16xf32>
      %mul3A_294 = arith.mulf %sub3A_292, %sub3A_293 : vector<16xf32>
      %sub3A_295 = arith.subf %get3A_278, %get3A_274 : vector<16xf32>
      %sub3A_296 = arith.subf %get3A_280, %get3A_276 : vector<16xf32>
      %mul3A_297 = arith.mulf %sub3A_295, %sub3A_296 : vector<16xf32>
      %sub3A_298 = arith.subf %get3A_286, %get3A_282 : vector<16xf32>
      %sub3A_299 = arith.subf %get3A_288, %get3A_284 : vector<16xf32>
      %mul3A_300 = arith.mulf %sub3A_298, %sub3A_299 : vector<16xf32>
      %broadcast_in_dim3A = arith.constant 0 : i32
      %broadcast_in_dim3A_301 = vector.broadcast %broadcast_in_dim3A : i32 to vector<16xi32>
      %broadcast_in_dim3A_302 = arith.constant 0.000000e+00 : f32
      %broadcast_in_dim3A_303 = vector.broadcast %broadcast_in_dim3A_302 : f32 to vector<16xf32>
      %broadcast_in_dim3A_304 = arith.constant 1.000000e+00 : f32
      %broadcast_in_dim3A_305 = vector.broadcast %broadcast_in_dim3A_304 : f32 to vector<16xf32>
      %scan3A_306 = arith.constant 0 : i32
      %scan3A_307 = arith.constant 128 : i32
      %scan3A_308 = arith.addi %scan3A_306, %scan3A_307 : i32
      %scan3A_309 = arith.constant 2 : i32
      %scan3A_310:13 = scf.for %scan3A_1223 = %scan3A_306 to %scan3A_308 step %scan3A_309 iter_args(%scan3A_1224 = %broadcast_in_dim3A_301, %scan3A_1225 = %broadcast_in_dim3A_303, %scan3A_1226 = %broadcast_in_dim3A_305, %scan3A_1227 = %broadcast_in_dim3A_301, %scan3A_1228 = %broadcast_in_dim3A_303, %scan3A_1229 = %broadcast_in_dim3A_305, %scan3A_1230 = %broadcast_in_dim3A_301, %scan3A_1231 = %broadcast_in_dim3A_303, %scan3A_1232 = %broadcast_in_dim3A_305, %scan3A_1233 = %broadcast_in_dim3A_301, %scan3A_1234 = %broadcast_in_dim3A_303, %scan3A_1235 = %broadcast_in_dim3A_305, %scan3A_1236 = %broadcast_in_dim3A_301) -> (vector<16xi32>, vector<16xf32>, vector<16xf32>, vector<16xi32>, vector<16xf32>, vector<16xf32>, vector<16xi32>, vector<16xf32>, vector<16xf32>, vector<16xi32>, vector<16xf32>, vector<16xf32>, vector<16xi32>)  : i32 {
        %gather3A_1237 = tpu.vector_load_idx %arg16[%scan3A_1236] : memref<128xf32, #tpu.memory_space<vmem>>[vector<16xi32>], vector<16xf32>,
        %gather3A_1238 = tpu.vector_load_idx %arg17[%scan3A_1236] : memref<128xf32, #tpu.memory_space<vmem>>[vector<16xi32>], vector<16xf32>,
        %gather3A_1239 = tpu.vector_load_idx %arg18[%scan3A_1236] : memref<128xf32, #tpu.memory_space<vmem>>[vector<16xi32>], vector<16xf32>,
        %gather3A_1240 = tpu.vector_load_idx %arg19[%scan3A_1236] : memref<128xf32, #tpu.memory_space<vmem>>[vector<16xi32>], vector<16xf32>,
        %gather3A_1241 = tpu.vector_load_idx %arg20[%scan3A_1236] : memref<128xf32, #tpu.memory_space<vmem>>[vector<16xi32>], vector<16xf32>,
        %min3A_1242 = arith.minimumf %get3A_262, %gather3A_1239 : vector<16xf32>
        %max3A_1243 = arith.maximumf %get3A_258, %gather3A_1237 : vector<16xf32>
        %sub3A_1244 = arith.subf %min3A_1242, %max3A_1243 : vector<16xf32>
        %max3A_1245 = arith.constant 0.000000e+00 : f32
        %max3A_1246 = vector.broadcast %max3A_1245 : f32 to vector<16xf32>
        %max3A_1247 = arith.maximumf %sub3A_1244, %max3A_1246 : vector<16xf32>
        %min3A_1248 = arith.minimumf %get3A_264, %gather3A_1240 : vector<16xf32>
        %max3A_1249 = arith.maximumf %get3A_260, %gather3A_1238 : vector<16xf32>
        %sub3A_1250 = arith.subf %min3A_1248, %max3A_1249 : vector<16xf32>
        %max3A_1251 = arith.constant 0.000000e+00 : f32
        %max3A_1252 = vector.broadcast %max3A_1251 : f32 to vector<16xf32>
        %max3A_1253 = arith.maximumf %sub3A_1250, %max3A_1252 : vector<16xf32>
        %mul3A_1254 = arith.mulf %max3A_1247, %max3A_1253 : vector<16xf32>
        %add3A_1255 = arith.addf %mul3A_291, %gather3A_1241 : vector<16xf32>
        %sub3A_1256 = arith.subf %add3A_1255, %mul3A_1254 : vector<16xf32>
        %mul3A_1257 = arith.mulf %mul3A_1254, %scan3A_1226 : vector<16xf32>
        %mul3A_1258 = arith.mulf %scan3A_1225, %sub3A_1256 : vector<16xf32>
        %gt3A_1259 = arith.cmpf ogt, %mul3A_1257, %mul3A_1258 : vector<16xf32>
        %select_n3A_1260 = arith.select %gt3A_1259, %scan3A_1236, %scan3A_1224 : vector<16xi1>, vector<16xi32>
        %select_n3A_1261 = arith.select %gt3A_1259, %mul3A_1254, %scan3A_1225 : vector<16xi1>, vector<16xf32>
        %select_n3A_1262 = arith.select %gt3A_1259, %sub3A_1256, %scan3A_1226 : vector<16xi1>, vector<16xf32>
        %min3A_1263 = arith.minimumf %get3A_270, %gather3A_1239 : vector<16xf32>
        %max3A_1264 = arith.maximumf %get3A_266, %gather3A_1237 : vector<16xf32>
        %sub3A_1265 = arith.subf %min3A_1263, %max3A_1264 : vector<16xf32>
        %max3A_1266 = arith.constant 0.000000e+00 : f32
        %max3A_1267 = vector.broadcast %max3A_1266 : f32 to vector<16xf32>
        %max3A_1268 = arith.maximumf %sub3A_1265, %max3A_1267 : vector<16xf32>
        %min3A_1269 = arith.minimumf %get3A_272, %gather3A_1240 : vector<16xf32>
        %max3A_1270 = arith.maximumf %get3A_268, %gather3A_1238 : vector<16xf32>
        %sub3A_1271 = arith.subf %min3A_1269, %max3A_1270 : vector<16xf32>
        %max3A_1272 = arith.constant 0.000000e+00 : f32
        %max3A_1273 = vector.broadcast %max3A_1272 : f32 to vector<16xf32>
        %max3A_1274 = arith.maximumf %sub3A_1271, %max3A_1273 : vector<16xf32>
        %mul3A_1275 = arith.mulf %max3A_1268, %max3A_1274 : vector<16xf32>
        %add3A_1276 = arith.addf %mul3A_294, %gather3A_1241 : vector<16xf32>
        %sub3A_1277 = arith.subf %add3A_1276, %mul3A_1275 : vector<16xf32>
        %mul3A_1278 = arith.mulf %mul3A_1275, %scan3A_1229 : vector<16xf32>
        %mul3A_1279 = arith.mulf %scan3A_1228, %sub3A_1277 : vector<16xf32>
        %gt3A_1280 = arith.cmpf ogt, %mul3A_1278, %mul3A_1279 : vector<16xf32>
        %select_n3A_1281 = arith.select %gt3A_1280, %scan3A_1236, %scan3A_1227 : vector<16xi1>, vector<16xi32>
        %select_n3A_1282 = arith.select %gt3A_1280, %mul3A_1275, %scan3A_1228 : vector<16xi1>, vector<16xf32>
        %select_n3A_1283 = arith.select %gt3A_1280, %sub3A_1277, %scan3A_1229 : vector<16xi1>, vector<16xf32>
        %min3A_1284 = arith.minimumf %get3A_278, %gather3A_1239 : vector<16xf32>
        %max3A_1285 = arith.maximumf %get3A_274, %gather3A_1237 : vector<16xf32>
        %sub3A_1286 = arith.subf %min3A_1284, %max3A_1285 : vector<16xf32>
        %max3A_1287 = arith.constant 0.000000e+00 : f32
        %max3A_1288 = vector.broadcast %max3A_1287 : f32 to vector<16xf32>
        %max3A_1289 = arith.maximumf %sub3A_1286, %max3A_1288 : vector<16xf32>
        %min3A_1290 = arith.minimumf %get3A_280, %gather3A_1240 : vector<16xf32>
        %max3A_1291 = arith.maximumf %get3A_276, %gather3A_1238 : vector<16xf32>
        %sub3A_1292 = arith.subf %min3A_1290, %max3A_1291 : vector<16xf32>
        %max3A_1293 = arith.constant 0.000000e+00 : f32
        %max3A_1294 = vector.broadcast %max3A_1293 : f32 to vector<16xf32>
        %max3A_1295 = arith.maximumf %sub3A_1292, %max3A_1294 : vector<16xf32>
        %mul3A_1296 = arith.mulf %max3A_1289, %max3A_1295 : vector<16xf32>
        %add3A_1297 = arith.addf %mul3A_297, %gather3A_1241 : vector<16xf32>
        %sub3A_1298 = arith.subf %add3A_1297, %mul3A_1296 : vector<16xf32>
        %mul3A_1299 = arith.mulf %mul3A_1296, %scan3A_1232 : vector<16xf32>
        %mul3A_1300 = arith.mulf %scan3A_1231, %sub3A_1298 : vector<16xf32>
        %gt3A_1301 = arith.cmpf ogt, %mul3A_1299, %mul3A_1300 : vector<16xf32>
        %select_n3A_1302 = arith.select %gt3A_1301, %scan3A_1236, %scan3A_1230 : vector<16xi1>, vector<16xi32>
        %select_n3A_1303 = arith.select %gt3A_1301, %mul3A_1296, %scan3A_1231 : vector<16xi1>, vector<16xf32>
        %select_n3A_1304 = arith.select %gt3A_1301, %sub3A_1298, %scan3A_1232 : vector<16xi1>, vector<16xf32>
        %min3A_1305 = arith.minimumf %get3A_286, %gather3A_1239 : vector<16xf32>
        %max3A_1306 = arith.maximumf %get3A_282, %gather3A_1237 : vector<16xf32>
        %sub3A_1307 = arith.subf %min3A_1305, %max3A_1306 : vector<16xf32>
        %max3A_1308 = arith.constant 0.000000e+00 : f32
        %max3A_1309 = vector.broadcast %max3A_1308 : f32 to vector<16xf32>
        %max3A_1310 = arith.maximumf %sub3A_1307, %max3A_1309 : vector<16xf32>
        %min3A_1311 = arith.minimumf %get3A_288, %gather3A_1240 : vector<16xf32>
        %max3A_1312 = arith.maximumf %get3A_284, %gather3A_1238 : vector<16xf32>
        %sub3A_1313 = arith.subf %min3A_1311, %max3A_1312 : vector<16xf32>
        %max3A_1314 = arith.constant 0.000000e+00 : f32
        %max3A_1315 = vector.broadcast %max3A_1314 : f32 to vector<16xf32>
        %max3A_1316 = arith.maximumf %sub3A_1313, %max3A_1315 : vector<16xf32>
        %mul3A_1317 = arith.mulf %max3A_1310, %max3A_1316 : vector<16xf32>
        %add3A_1318 = arith.addf %mul3A_300, %gather3A_1241 : vector<16xf32>
        %sub3A_1319 = arith.subf %add3A_1318, %mul3A_1317 : vector<16xf32>
        %mul3A_1320 = arith.mulf %mul3A_1317, %scan3A_1235 : vector<16xf32>
        %mul3A_1321 = arith.mulf %scan3A_1234, %sub3A_1319 : vector<16xf32>
        %gt3A_1322 = arith.cmpf ogt, %mul3A_1320, %mul3A_1321 : vector<16xf32>
        %select_n3A_1323 = arith.select %gt3A_1322, %scan3A_1236, %scan3A_1233 : vector<16xi1>, vector<16xi32>
        %select_n3A_1324 = arith.select %gt3A_1322, %mul3A_1317, %scan3A_1234 : vector<16xi1>, vector<16xf32>
        %select_n3A_1325 = arith.select %gt3A_1322, %sub3A_1319, %scan3A_1235 : vector<16xi1>, vector<16xf32>
        %add3A_1326 = arith.constant 1 : i32
        %add3A_1327 = vector.broadcast %add3A_1326 : i32 to vector<16xi32>
        %add3A_1328 = arith.addi %scan3A_1236, %add3A_1327 : vector<16xi32>
        %scan3A_1329 = arith.constant 1 : i32
        %scan3A_1330 = arith.addi %scan3A_1223, %scan3A_1329 : i32
        %gather3A_1331 = tpu.vector_load_idx %arg16[%add3A_1328] : memref<128xf32, #tpu.memory_space<vmem>>[vector<16xi32>], vector<16xf32>,
        %gather3A_1332 = tpu.vector_load_idx %arg17[%add3A_1328] : memref<128xf32, #tpu.memory_space<vmem>>[vector<16xi32>], vector<16xf32>,
        %gather3A_1333 = tpu.vector_load_idx %arg18[%add3A_1328] : memref<128xf32, #tpu.memory_space<vmem>>[vector<16xi32>], vector<16xf32>,
        %gather3A_1334 = tpu.vector_load_idx %arg19[%add3A_1328] : memref<128xf32, #tpu.memory_space<vmem>>[vector<16xi32>], vector<16xf32>,
        %gather3A_1335 = tpu.vector_load_idx %arg20[%add3A_1328] : memref<128xf32, #tpu.memory_space<vmem>>[vector<16xi32>], vector<16xf32>,
        %min3A_1336 = arith.minimumf %get3A_262, %gather3A_1333 : vector<16xf32>
        %max3A_1337 = arith.maximumf %get3A_258, %gather3A_1331 : vector<16xf32>
        %sub3A_1338 = arith.subf %min3A_1336, %max3A_1337 : vector<16xf32>
        %max3A_1339 = arith.constant 0.000000e+00 : f32
        %max3A_1340 = vector.broadcast %max3A_1339 : f32 to vector<16xf32>
        %max3A_1341 = arith.maximumf %sub3A_1338, %max3A_1340 : vector<16xf32>
        %min3A_1342 = arith.minimumf %get3A_264, %gather3A_1334 : vector<16xf32>
        %max3A_1343 = arith.maximumf %get3A_260, %gather3A_1332 : vector<16xf32>
        %sub3A_1344 = arith.subf %min3A_1342, %max3A_1343 : vector<16xf32>
        %max3A_1345 = arith.constant 0.000000e+00 : f32
        %max3A_1346 = vector.broadcast %max3A_1345 : f32 to vector<16xf32>
        %max3A_1347 = arith.maximumf %sub3A_1344, %max3A_1346 : vector<16xf32>
        %mul3A_1348 = arith.mulf %max3A_1341, %max3A_1347 : vector<16xf32>
        %add3A_1349 = arith.addf %mul3A_291, %gather3A_1335 : vector<16xf32>
        %sub3A_1350 = arith.subf %add3A_1349, %mul3A_1348 : vector<16xf32>
        %mul3A_1351 = arith.mulf %mul3A_1348, %select_n3A_1262 : vector<16xf32>
        %mul3A_1352 = arith.mulf %select_n3A_1261, %sub3A_1350 : vector<16xf32>
        %gt3A_1353 = arith.cmpf ogt, %mul3A_1351, %mul3A_1352 : vector<16xf32>
        %select_n3A_1354 = arith.select %gt3A_1353, %add3A_1328, %select_n3A_1260 : vector<16xi1>, vector<16xi32>
        %select_n3A_1355 = arith.select %gt3A_1353, %mul3A_1348, %select_n3A_1261 : vector<16xi1>, vector<16xf32>
        %select_n3A_1356 = arith.select %gt3A_1353, %sub3A_1350, %select_n3A_1262 : vector<16xi1>, vector<16xf32>
        %min3A_1357 = arith.minimumf %get3A_270, %gather3A_1333 : vector<16xf32>
        %max3A_1358 = arith.maximumf %get3A_266, %gather3A_1331 : vector<16xf32>
        %sub3A_1359 = arith.subf %min3A_1357, %max3A_1358 : vector<16xf32>
        %max3A_1360 = arith.constant 0.000000e+00 : f32
        %max3A_1361 = vector.broadcast %max3A_1360 : f32 to vector<16xf32>
        %max3A_1362 = arith.maximumf %sub3A_1359, %max3A_1361 : vector<16xf32>
        %min3A_1363 = arith.minimumf %get3A_272, %gather3A_1334 : vector<16xf32>
        %max3A_1364 = arith.maximumf %get3A_268, %gather3A_1332 : vector<16xf32>
        %sub3A_1365 = arith.subf %min3A_1363, %max3A_1364 : vector<16xf32>
        %max3A_1366 = arith.constant 0.000000e+00 : f32
        %max3A_1367 = vector.broadcast %max3A_1366 : f32 to vector<16xf32>
        %max3A_1368 = arith.maximumf %sub3A_1365, %max3A_1367 : vector<16xf32>
        %mul3A_1369 = arith.mulf %max3A_1362, %max3A_1368 : vector<16xf32>
        %add3A_1370 = arith.addf %mul3A_294, %gather3A_1335 : vector<16xf32>
        %sub3A_1371 = arith.subf %add3A_1370, %mul3A_1369 : vector<16xf32>
        %mul3A_1372 = arith.mulf %mul3A_1369, %select_n3A_1283 : vector<16xf32>
        %mul3A_1373 = arith.mulf %select_n3A_1282, %sub3A_1371 : vector<16xf32>
        %gt3A_1374 = arith.cmpf ogt, %mul3A_1372, %mul3A_1373 : vector<16xf32>
        %select_n3A_1375 = arith.select %gt3A_1374, %add3A_1328, %select_n3A_1281 : vector<16xi1>, vector<16xi32>
        %select_n3A_1376 = arith.select %gt3A_1374, %mul3A_1369, %select_n3A_1282 : vector<16xi1>, vector<16xf32>
        %select_n3A_1377 = arith.select %gt3A_1374, %sub3A_1371, %select_n3A_1283 : vector<16xi1>, vector<16xf32>
        %min3A_1378 = arith.minimumf %get3A_278, %gather3A_1333 : vector<16xf32>
        %max3A_1379 = arith.maximumf %get3A_274, %gather3A_1331 : vector<16xf32>
        %sub3A_1380 = arith.subf %min3A_1378, %max3A_1379 : vector<16xf32>
        %max3A_1381 = arith.constant 0.000000e+00 : f32
        %max3A_1382 = vector.broadcast %max3A_1381 : f32 to vector<16xf32>
        %max3A_1383 = arith.maximumf %sub3A_1380, %max3A_1382 : vector<16xf32>
        %min3A_1384 = arith.minimumf %get3A_280, %gather3A_1334 : vector<16xf32>
        %max3A_1385 = arith.maximumf %get3A_276, %gather3A_1332 : vector<16xf32>
        %sub3A_1386 = arith.subf %min3A_1384, %max3A_1385 : vector<16xf32>
        %max3A_1387 = arith.constant 0.000000e+00 : f32
        %max3A_1388 = vector.broadcast %max3A_1387 : f32 to vector<16xf32>
        %max3A_1389 = arith.maximumf %sub3A_1386, %max3A_1388 : vector<16xf32>
        %mul3A_1390 = arith.mulf %max3A_1383, %max3A_1389 : vector<16xf32>
        %add3A_1391 = arith.addf %mul3A_297, %gather3A_1335 : vector<16xf32>
        %sub3A_1392 = arith.subf %add3A_1391, %mul3A_1390 : vector<16xf32>
        %mul3A_1393 = arith.mulf %mul3A_1390, %select_n3A_1304 : vector<16xf32>
        %mul3A_1394 = arith.mulf %select_n3A_1303, %sub3A_1392 : vector<16xf32>
        %gt3A_1395 = arith.cmpf ogt, %mul3A_1393, %mul3A_1394 : vector<16xf32>
        %select_n3A_1396 = arith.select %gt3A_1395, %add3A_1328, %select_n3A_1302 : vector<16xi1>, vector<16xi32>
        %select_n3A_1397 = arith.select %gt3A_1395, %mul3A_1390, %select_n3A_1303 : vector<16xi1>, vector<16xf32>
        %select_n3A_1398 = arith.select %gt3A_1395, %sub3A_1392, %select_n3A_1304 : vector<16xi1>, vector<16xf32>
        %min3A_1399 = arith.minimumf %get3A_286, %gather3A_1333 : vector<16xf32>
        %max3A_1400 = arith.maximumf %get3A_282, %gather3A_1331 : vector<16xf32>
        %sub3A_1401 = arith.subf %min3A_1399, %max3A_1400 : vector<16xf32>
        %max3A_1402 = arith.constant 0.000000e+00 : f32
        %max3A_1403 = vector.broadcast %max3A_1402 : f32 to vector<16xf32>
        %max3A_1404 = arith.maximumf %sub3A_1401, %max3A_1403 : vector<16xf32>
        %min3A_1405 = arith.minimumf %get3A_288, %gather3A_1334 : vector<16xf32>
        %max3A_1406 = arith.maximumf %get3A_284, %gather3A_1332 : vector<16xf32>
        %sub3A_1407 = arith.subf %min3A_1405, %max3A_1406 : vector<16xf32>
        %max3A_1408 = arith.constant 0.000000e+00 : f32
        %max3A_1409 = vector.broadcast %max3A_1408 : f32 to vector<16xf32>
        %max3A_1410 = arith.maximumf %sub3A_1407, %max3A_1409 : vector<16xf32>
        %mul3A_1411 = arith.mulf %max3A_1404, %max3A_1410 : vector<16xf32>
        %add3A_1412 = arith.addf %mul3A_300, %gather3A_1335 : vector<16xf32>
        %sub3A_1413 = arith.subf %add3A_1412, %mul3A_1411 : vector<16xf32>
        %mul3A_1414 = arith.mulf %mul3A_1411, %select_n3A_1325 : vector<16xf32>
        %mul3A_1415 = arith.mulf %select_n3A_1324, %sub3A_1413 : vector<16xf32>
        %gt3A_1416 = arith.cmpf ogt, %mul3A_1414, %mul3A_1415 : vector<16xf32>
        %select_n3A_1417 = arith.select %gt3A_1416, %add3A_1328, %select_n3A_1323 : vector<16xi1>, vector<16xi32>
        %select_n3A_1418 = arith.select %gt3A_1416, %mul3A_1411, %select_n3A_1324 : vector<16xi1>, vector<16xf32>
        %select_n3A_1419 = arith.select %gt3A_1416, %sub3A_1413, %select_n3A_1325 : vector<16xi1>, vector<16xf32>
        %add3A_1420 = arith.constant 1 : i32
        %add3A_1421 = vector.broadcast %add3A_1420 : i32 to vector<16xi32>
        %add3A_1422 = arith.addi %add3A_1328, %add3A_1421 : vector<16xi32>
        scf.yield %select_n3A_1354, %select_n3A_1355, %select_n3A_1356, %select_n3A_1375, %select_n3A_1376, %select_n3A_1377, %select_n3A_1396, %select_n3A_1397, %select_n3A_1398, %select_n3A_1417, %select_n3A_1418, %select_n3A_1419, %add3A_1422 : vector<16xi32>, vector<16xf32>, vector<16xf32>, vector<16xi32>, vector<16xf32>, vector<16xf32>, vector<16xi32>, vector<16xf32>, vector<16xf32>, vector<16xi32>, vector<16xf32>, vector<16xf32>, vector<16xi32>
      }
      %scan3A_311 = arith.constant 128 : i32
      %sub3A_312 = arith.subf %get3A_262, %get3A_258 : vector<16xf32>
      %sub3A_313 = arith.subf %get3A_264, %get3A_260 : vector<16xf32>
      %max3A = arith.constant 9.99999971E-10 : f32
      %max3A_314 = vector.broadcast %max3A : f32 to vector<16xf32>
      %max3A_315 = arith.maximumf %scan3A_310#2, %max3A_314 : vector<16xf32>
      %div3A = arith.divf %scan3A_310#1, %max3A_315 : vector<16xf32>
      %ge3A = arith.constant 5.000000e-01 : f32
      %ge3A_316 = vector.broadcast %ge3A : f32 to vector<16xf32>
      %ge3A_317 = arith.cmpf oge, %div3A, %ge3A_316 : vector<16xf32>
      %jit3A = arith.constant -1 : i32
      %broadcast_in_dim3A_318 = vector.broadcast %jit3A : i32 to vector<16xi32>
      %select_n3A = arith.select %ge3A_317, %scan3A_310#0, %broadcast_in_dim3A_318 : vector<16xi1>, vector<16xi32>
      %swap3A_319 = arith.index_cast %add3A_244 : i32 to index
      %swap3A_320 = tpu.vector_load %arg21[%swap3A_319] {strides = array<i32>} : memref<640xi32, #tpu.memory_space<vmem>>, vector<16xi32>,
      tpu.vector_store %arg21[%swap3A_319], %select_n3A {strides = array<i32>} : memref<640xi32, #tpu.memory_space<vmem>>, vector<16xi32>,
      %jit3A_321 = arith.constant 0 : i32
      %broadcast_in_dim3A_322 = vector.broadcast %jit3A_321 : i32 to vector<16xi32>
      %select_n3A_323 = arith.select %ge3A_317, %scan3A_310#0, %broadcast_in_dim3A_322 : vector<16xi1>, vector<16xi32>
      %gather3A = tpu.vector_load_idx %arg16[%select_n3A_323] : memref<128xf32, #tpu.memory_space<vmem>>[vector<16xi32>], vector<16xf32>,
      %gather3A_324 = tpu.vector_load_idx %arg17[%select_n3A_323] : memref<128xf32, #tpu.memory_space<vmem>>[vector<16xi32>], vector<16xf32>,
      %gather3A_325 = tpu.vector_load_idx %arg18[%select_n3A_323] : memref<128xf32, #tpu.memory_space<vmem>>[vector<16xi32>], vector<16xf32>,
      %gather3A_326 = tpu.vector_load_idx %arg19[%select_n3A_323] : memref<128xf32, #tpu.memory_space<vmem>>[vector<16xi32>], vector<16xf32>,
      %sub3A_327 = arith.subf %gather3A_325, %gather3A : vector<16xf32>
      %max3A_328 = arith.constant 1.000000e+00 : f32
      %max3A_329 = vector.broadcast %max3A_328 : f32 to vector<16xf32>
      %max3A_330 = arith.maximumf %sub3A_327, %max3A_329 : vector<16xf32>
      %sub3A_331 = arith.subf %gather3A_326, %gather3A_324 : vector<16xf32>
      %max3A_332 = arith.constant 1.000000e+00 : f32
      %max3A_333 = vector.broadcast %max3A_332 : f32 to vector<16xf32>
      %max3A_334 = arith.maximumf %sub3A_331, %max3A_333 : vector<16xf32>
      %mul3A_335 = arith.constant 5.000000e-01 : f32
      %mul3A_336 = vector.broadcast %mul3A_335 : f32 to vector<16xf32>
      %mul3A_337 = arith.mulf %mul3A_336, %sub3A_312 : vector<16xf32>
      %add3A_338 = arith.addf %get3A_258, %mul3A_337 : vector<16xf32>
      %mul3A_339 = arith.constant 5.000000e-01 : f32
      %mul3A_340 = vector.broadcast %mul3A_339 : f32 to vector<16xf32>
      %mul3A_341 = arith.mulf %mul3A_340, %sub3A_313 : vector<16xf32>
      %add3A_342 = arith.addf %get3A_260, %mul3A_341 : vector<16xf32>
      %mul3A_343 = arith.constant 5.000000e-01 : f32
      %mul3A_344 = vector.broadcast %mul3A_343 : f32 to vector<16xf32>
      %mul3A_345 = arith.mulf %mul3A_344, %max3A_330 : vector<16xf32>
      %add3A_346 = arith.addf %gather3A, %mul3A_345 : vector<16xf32>
      %sub3A_347 = arith.subf %add3A_346, %add3A_338 : vector<16xf32>
      %div3A_348 = arith.divf %sub3A_347, %sub3A_312 : vector<16xf32>
      %mul3A_349 = arith.constant 1.000000e+01 : f32
      %mul3A_350 = vector.broadcast %mul3A_349 : f32 to vector<16xf32>
      %mul3A_351 = arith.mulf %div3A_348, %mul3A_350 : vector<16xf32>
      %swap3A_352 = arith.index_cast %add3A_244 : i32 to index
      %swap3A_353 = tpu.vector_load %arg22[%swap3A_352] {strides = array<i32>} : memref<640xf32, #tpu.memory_space<vmem>>, vector<16xf32>,
      tpu.vector_store %arg22[%swap3A_352], %mul3A_351 {strides = array<i32>} : memref<640xf32, #tpu.memory_space<vmem>>, vector<16xf32>,
      %mul3A_354 = arith.constant 5.000000e-01 : f32
      %mul3A_355 = vector.broadcast %mul3A_354 : f32 to vector<16xf32>
      %mul3A_356 = arith.mulf %mul3A_355, %max3A_334 : vector<16xf32>
      %add3A_357 = arith.addf %gather3A_324, %mul3A_356 : vector<16xf32>
      %sub3A_358 = arith.subf %add3A_357, %add3A_342 : vector<16xf32>
      %div3A_359 = arith.divf %sub3A_358, %sub3A_313 : vector<16xf32>
      %mul3A_360 = arith.constant 1.000000e+01 : f32
      %mul3A_361 = vector.broadcast %mul3A_360 : f32 to vector<16xf32>
      %mul3A_362 = arith.mulf %div3A_359, %mul3A_361 : vector<16xf32>
      %swap3A_363 = arith.index_cast %add3A_244 : i32 to index
      %swap3A_364 = tpu.vector_load %arg23[%swap3A_363] {strides = array<i32>} : memref<640xf32, #tpu.memory_space<vmem>>, vector<16xf32>,
      tpu.vector_store %arg23[%swap3A_363], %mul3A_362 {strides = array<i32>} : memref<640xf32, #tpu.memory_space<vmem>>, vector<16xf32>,
      %div3A_365 = arith.divf %max3A_330, %sub3A_312 : vector<16xf32>
      %bitcast3A = vector.bitcast %div3A_365 : vector<16xf32> to vector<16xi32>
      %shift_right_arithmetic3A = arith.constant 23 : i32
      %shift_right_arithmetic3A_366 = vector.broadcast %shift_right_arithmetic3A : i32 to vector<16xi32>
      %shift_right_arithmetic3A_367 = arith.shrsi %bitcast3A, %shift_right_arithmetic3A_366 : vector<16xi32>
      %sub3A_368 = arith.constant 127 : i32
      %sub3A_369 = vector.broadcast %sub3A_368 : i32 to vector<16xi32>
      %sub3A_370 = arith.subi %shift_right_arithmetic3A_367, %sub3A_369 : vector<16xi32>
      %and3A = arith.constant 8388607 : i32
      %and3A_371 = vector.broadcast %and3A : i32 to vector<16xi32>
      %and3A_372 = arith.andi %bitcast3A, %and3A_371 : vector<16xi32>
      %or3A = arith.constant 1065353216 : i32
      %or3A_373 = vector.broadcast %or3A : i32 to vector<16xi32>
      %or3A_374 = arith.ori %and3A_372, %or3A_373 : vector<16xi32>
      %bitcast3A_375 = vector.bitcast %or3A_374 : vector<16xi32> to vector<16xf32>
      %gt3A = arith.constant 1.41421354 : f32
      %gt3A_376 = vector.broadcast %gt3A : f32 to vector<16xf32>
      %gt3A_377 = arith.cmpf ogt, %bitcast3A_375, %gt3A_376 : vector<16xf32>
      %mul3A_378 = arith.constant 5.000000e-01 : f32
      %mul3A_379 = vector.broadcast %mul3A_378 : f32 to vector<16xf32>
      %mul3A_380 = arith.mulf %mul3A_379, %bitcast3A_375 : vector<16xf32>
      %select_n3A_381 = arith.select %gt3A_377, %mul3A_380, %bitcast3A_375 : vector<16xi1>, vector<16xf32>
      %add3A_382 = arith.constant 1 : i32
      %add3A_383 = vector.broadcast %add3A_382 : i32 to vector<16xi32>
      %add3A_384 = arith.addi %sub3A_370, %add3A_383 : vector<16xi32>
      %select_n3A_385 = arith.select %gt3A_377, %add3A_384, %sub3A_370 : vector<16xi1>, vector<16xi32>
      %sub3A_386 = arith.constant 1.000000e+00 : f32
      %sub3A_387 = vector.broadcast %sub3A_386 : f32 to vector<16xf32>
      %sub3A_388 = arith.subf %select_n3A_381, %sub3A_387 : vector<16xf32>
      %add3A_389 = arith.constant 1.000000e+00 : f32
      %add3A_390 = vector.broadcast %add3A_389 : f32 to vector<16xf32>
      %add3A_391 = arith.addf %select_n3A_381, %add3A_390 : vector<16xf32>
      %div3A_392 = arith.divf %sub3A_388, %add3A_391 : vector<16xf32>
      %mul3A_393 = arith.mulf %div3A_392, %div3A_392 : vector<16xf32>
      %mul3A_394 = arith.constant 0.222222224 : f32
      %mul3A_395 = vector.broadcast %mul3A_394 : f32 to vector<16xf32>
      %mul3A_396 = arith.mulf %mul3A_393, %mul3A_395 : vector<16xf32>
      %add3A_397 = arith.constant 0.285714298 : f32
      %add3A_398 = vector.broadcast %add3A_397 : f32 to vector<16xf32>
      %add3A_399 = arith.addf %add3A_398, %mul3A_396 : vector<16xf32>
      %mul3A_400 = arith.mulf %mul3A_393, %add3A_399 : vector<16xf32>
      %add3A_401 = arith.constant 4.000000e-01 : f32
      %add3A_402 = vector.broadcast %add3A_401 : f32 to vector<16xf32>
      %add3A_403 = arith.addf %add3A_402, %mul3A_400 : vector<16xf32>
      %mul3A_404 = arith.mulf %mul3A_393, %add3A_403 : vector<16xf32>
      %add3A_405 = arith.constant 0.666666686 : f32
      %add3A_406 = vector.broadcast %add3A_405 : f32 to vector<16xf32>
      %add3A_407 = arith.addf %add3A_406, %mul3A_404 : vector<16xf32>
      %mul3A_408 = arith.mulf %mul3A_393, %add3A_407 : vector<16xf32>
      %add3A_409 = arith.constant 2.000000e+00 : f32
      %add3A_410 = vector.broadcast %add3A_409 : f32 to vector<16xf32>
      %add3A_411 = arith.addf %add3A_410, %mul3A_408 : vector<16xf32>
      %convert_element_type3A = arith.sitofp %select_n3A_385 : vector<16xi32> to vector<16xf32>
      %mul3A_412 = arith.constant 0.693147182 : f32
      %mul3A_413 = vector.broadcast %mul3A_412 : f32 to vector<16xf32>
      %mul3A_414 = arith.mulf %convert_element_type3A, %mul3A_413 : vector<16xf32>
      %mul3A_415 = arith.mulf %div3A_392, %add3A_411 : vector<16xf32>
      %add3A_416 = arith.addf %mul3A_414, %mul3A_415 : vector<16xf32>
      %mul3A_417 = arith.constant 5.000000e+00 : f32
      %mul3A_418 = vector.broadcast %mul3A_417 : f32 to vector<16xf32>
      %mul3A_419 = arith.mulf %add3A_416, %mul3A_418 : vector<16xf32>
      %swap3A_420 = arith.index_cast %add3A_244 : i32 to index
      %swap3A_421 = tpu.vector_load %arg24[%swap3A_420] {strides = array<i32>} : memref<640xf32, #tpu.memory_space<vmem>>, vector<16xf32>,
      tpu.vector_store %arg24[%swap3A_420], %mul3A_419 {strides = array<i32>} : memref<640xf32, #tpu.memory_space<vmem>>, vector<16xf32>,
      %div3A_422 = arith.divf %max3A_334, %sub3A_313 : vector<16xf32>
      %bitcast3A_423 = vector.bitcast %div3A_422 : vector<16xf32> to vector<16xi32>
      %shift_right_arithmetic3A_424 = arith.constant 23 : i32
      %shift_right_arithmetic3A_425 = vector.broadcast %shift_right_arithmetic3A_424 : i32 to vector<16xi32>
      %shift_right_arithmetic3A_426 = arith.shrsi %bitcast3A_423, %shift_right_arithmetic3A_425 : vector<16xi32>
      %sub3A_427 = arith.constant 127 : i32
      %sub3A_428 = vector.broadcast %sub3A_427 : i32 to vector<16xi32>
      %sub3A_429 = arith.subi %shift_right_arithmetic3A_426, %sub3A_428 : vector<16xi32>
      %and3A_430 = arith.constant 8388607 : i32
      %and3A_431 = vector.broadcast %and3A_430 : i32 to vector<16xi32>
      %and3A_432 = arith.andi %bitcast3A_423, %and3A_431 : vector<16xi32>
      %or3A_433 = arith.constant 1065353216 : i32
      %or3A_434 = vector.broadcast %or3A_433 : i32 to vector<16xi32>
      %or3A_435 = arith.ori %and3A_432, %or3A_434 : vector<16xi32>
      %bitcast3A_436 = vector.bitcast %or3A_435 : vector<16xi32> to vector<16xf32>
      %gt3A_437 = arith.constant 1.41421354 : f32
      %gt3A_438 = vector.broadcast %gt3A_437 : f32 to vector<16xf32>
      %gt3A_439 = arith.cmpf ogt, %bitcast3A_436, %gt3A_438 : vector<16xf32>
      %mul3A_440 = arith.constant 5.000000e-01 : f32
      %mul3A_441 = vector.broadcast %mul3A_440 : f32 to vector<16xf32>
      %mul3A_442 = arith.mulf %mul3A_441, %bitcast3A_436 : vector<16xf32>
      %select_n3A_443 = arith.select %gt3A_439, %mul3A_442, %bitcast3A_436 : vector<16xi1>, vector<16xf32>
      %add3A_444 = arith.constant 1 : i32
      %add3A_445 = vector.broadcast %add3A_444 : i32 to vector<16xi32>
      %add3A_446 = arith.addi %sub3A_429, %add3A_445 : vector<16xi32>
      %select_n3A_447 = arith.select %gt3A_439, %add3A_446, %sub3A_429 : vector<16xi1>, vector<16xi32>
      %sub3A_448 = arith.constant 1.000000e+00 : f32
      %sub3A_449 = vector.broadcast %sub3A_448 : f32 to vector<16xf32>
      %sub3A_450 = arith.subf %select_n3A_443, %sub3A_449 : vector<16xf32>
      %add3A_451 = arith.constant 1.000000e+00 : f32
      %add3A_452 = vector.broadcast %add3A_451 : f32 to vector<16xf32>
      %add3A_453 = arith.addf %select_n3A_443, %add3A_452 : vector<16xf32>
      %div3A_454 = arith.divf %sub3A_450, %add3A_453 : vector<16xf32>
      %mul3A_455 = arith.mulf %div3A_454, %div3A_454 : vector<16xf32>
      %mul3A_456 = arith.constant 0.222222224 : f32
      %mul3A_457 = vector.broadcast %mul3A_456 : f32 to vector<16xf32>
      %mul3A_458 = arith.mulf %mul3A_455, %mul3A_457 : vector<16xf32>
      %add3A_459 = arith.constant 0.285714298 : f32
      %add3A_460 = vector.broadcast %add3A_459 : f32 to vector<16xf32>
      %add3A_461 = arith.addf %add3A_460, %mul3A_458 : vector<16xf32>
      %mul3A_462 = arith.mulf %mul3A_455, %add3A_461 : vector<16xf32>
      %add3A_463 = arith.constant 4.000000e-01 : f32
      %add3A_464 = vector.broadcast %add3A_463 : f32 to vector<16xf32>
      %add3A_465 = arith.addf %add3A_464, %mul3A_462 : vector<16xf32>
      %mul3A_466 = arith.mulf %mul3A_455, %add3A_465 : vector<16xf32>
      %add3A_467 = arith.constant 0.666666686 : f32
      %add3A_468 = vector.broadcast %add3A_467 : f32 to vector<16xf32>
      %add3A_469 = arith.addf %add3A_468, %mul3A_466 : vector<16xf32>
      %mul3A_470 = arith.mulf %mul3A_455, %add3A_469 : vector<16xf32>
      %add3A_471 = arith.constant 2.000000e+00 : f32
      %add3A_472 = vector.broadcast %add3A_471 : f32 to vector<16xf32>
      %add3A_473 = arith.addf %add3A_472, %mul3A_470 : vector<16xf32>
      %convert_element_type3A_474 = arith.sitofp %select_n3A_447 : vector<16xi32> to vector<16xf32>
      %mul3A_475 = arith.constant 0.693147182 : f32
      %mul3A_476 = vector.broadcast %mul3A_475 : f32 to vector<16xf32>
      %mul3A_477 = arith.mulf %convert_element_type3A_474, %mul3A_476 : vector<16xf32>
      %mul3A_478 = arith.mulf %div3A_454, %add3A_473 : vector<16xf32>
      %add3A_479 = arith.addf %mul3A_477, %mul3A_478 : vector<16xf32>
      %mul3A_480 = arith.constant 5.000000e+00 : f32
      %mul3A_481 = vector.broadcast %mul3A_480 : f32 to vector<16xf32>
      %mul3A_482 = arith.mulf %add3A_479, %mul3A_481 : vector<16xf32>
      %swap3A_483 = arith.index_cast %add3A_244 : i32 to index
      %swap3A_484 = tpu.vector_load %arg25[%swap3A_483] {strides = array<i32>} : memref<640xf32, #tpu.memory_space<vmem>>, vector<16xf32>,
      tpu.vector_store %arg25[%swap3A_483], %mul3A_482 {strides = array<i32>} : memref<640xf32, #tpu.memory_space<vmem>>, vector<16xf32>,
      %get3A_485 = arith.index_cast %add3A_244 : i32 to index
      %get3A_486 = tpu.vector_load %arg12[%get3A_485] {strides = array<i32>} : memref<640xf32, #tpu.memory_space<vmem>>, vector<16xf32>,
      %mul3A_487 = arith.constant 1.000000e-01 : f32
      %mul3A_488 = vector.broadcast %mul3A_487 : f32 to vector<16xf32>
      %mul3A_489 = arith.mulf %get3A_486, %mul3A_488 : vector<16xf32>
      %get3A_490 = arith.index_cast %add3A_244 : i32 to index
      %get3A_491 = tpu.vector_load %arg13[%get3A_490] {strides = array<i32>} : memref<640xf32, #tpu.memory_space<vmem>>, vector<16xf32>,
      %mul3A_492 = arith.constant 1.000000e-01 : f32
      %mul3A_493 = vector.broadcast %mul3A_492 : f32 to vector<16xf32>
      %mul3A_494 = arith.mulf %get3A_491, %mul3A_493 : vector<16xf32>
      %get3A_495 = arith.index_cast %add3A_244 : i32 to index
      %get3A_496 = tpu.vector_load %arg14[%get3A_495] {strides = array<i32>} : memref<640xf32, #tpu.memory_space<vmem>>, vector<16xf32>,
      %mul3A_497 = arith.constant 2.000000e-01 : f32
      %mul3A_498 = vector.broadcast %mul3A_497 : f32 to vector<16xf32>
      %mul3A_499 = arith.mulf %get3A_496, %mul3A_498 : vector<16xf32>
      %get3A_500 = arith.index_cast %add3A_244 : i32 to index
      %get3A_501 = tpu.vector_load %arg15[%get3A_500] {strides = array<i32>} : memref<640xf32, #tpu.memory_space<vmem>>, vector<16xf32>,
      %mul3A_502 = arith.constant 2.000000e-01 : f32
      %mul3A_503 = vector.broadcast %mul3A_502 : f32 to vector<16xf32>
      %mul3A_504 = arith.mulf %get3A_501, %mul3A_503 : vector<16xf32>
      %mul3A_505 = arith.mulf %mul3A_489, %sub3A_312 : vector<16xf32>
      %add3A_506 = arith.addf %add3A_338, %mul3A_505 : vector<16xf32>
      %mul3A_507 = arith.mulf %mul3A_494, %sub3A_313 : vector<16xf32>
      %add3A_508 = arith.addf %add3A_342, %mul3A_507 : vector<16xf32>
      %exp3A = math.exp %mul3A_499 : vector<16xf32>
      %mul3A_509 = arith.mulf %exp3A, %sub3A_312 : vector<16xf32>
      %exp3A_510 = math.exp %mul3A_504 : vector<16xf32>
      %mul3A_511 = arith.mulf %exp3A_510, %sub3A_313 : vector<16xf32>
      %mul3A_512 = arith.constant 5.000000e-01 : f32
      %mul3A_513 = vector.broadcast %mul3A_512 : f32 to vector<16xf32>
      %mul3A_514 = arith.mulf %mul3A_513, %mul3A_509 : vector<16xf32>
      %sub3A_515 = arith.subf %add3A_506, %mul3A_514 : vector<16xf32>
      %mul3A_516 = arith.constant 5.000000e-01 : f32
      %mul3A_517 = vector.broadcast %mul3A_516 : f32 to vector<16xf32>
      %mul3A_518 = arith.mulf %mul3A_517, %mul3A_511 : vector<16xf32>
      %sub3A_519 = arith.subf %add3A_508, %mul3A_518 : vector<16xf32>
      %swap3A_520 = arith.index_cast %add3A_244 : i32 to index
      %swap3A_521 = tpu.vector_load %arg26[%swap3A_520] {strides = array<i32>} : memref<640xf32, #tpu.memory_space<vmem>>, vector<16xf32>,
      tpu.vector_store %arg26[%swap3A_520], %sub3A_515 {strides = array<i32>} : memref<640xf32, #tpu.memory_space<vmem>>, vector<16xf32>,
      %swap3A_522 = arith.index_cast %add3A_244 : i32 to index
      %swap3A_523 = tpu.vector_load %arg27[%swap3A_522] {strides = array<i32>} : memref<640xf32, #tpu.memory_space<vmem>>, vector<16xf32>,
      tpu.vector_store %arg27[%swap3A_522], %sub3A_519 {strides = array<i32>} : memref<640xf32, #tpu.memory_space<vmem>>, vector<16xf32>,
      %add3A_524 = arith.addf %sub3A_515, %mul3A_509 : vector<16xf32>
      %swap3A_525 = arith.index_cast %add3A_244 : i32 to index
      %swap3A_526 = tpu.vector_load %arg28[%swap3A_525] {strides = array<i32>} : memref<640xf32, #tpu.memory_space<vmem>>, vector<16xf32>,
      tpu.vector_store %arg28[%swap3A_525], %add3A_524 {strides = array<i32>} : memref<640xf32, #tpu.memory_space<vmem>>, vector<16xf32>,
      %add3A_527 = arith.addf %sub3A_519, %mul3A_511 : vector<16xf32>
      %swap3A_528 = arith.index_cast %add3A_244 : i32 to index
      %swap3A_529 = tpu.vector_load %arg29[%swap3A_528] {strides = array<i32>} : memref<640xf32, #tpu.memory_space<vmem>>, vector<16xf32>,
      tpu.vector_store %arg29[%swap3A_528], %add3A_527 {strides = array<i32>} : memref<640xf32, #tpu.memory_space<vmem>>, vector<16xf32>,
      %sub3A_530 = arith.subf %get3A_270, %get3A_266 : vector<16xf32>
      %sub3A_531 = arith.subf %get3A_272, %get3A_268 : vector<16xf32>
      %max3A_532 = arith.constant 9.99999971E-10 : f32
      %max3A_533 = vector.broadcast %max3A_532 : f32 to vector<16xf32>
      %max3A_534 = arith.maximumf %scan3A_310#5, %max3A_533 : vector<16xf32>
      %div3A_535 = arith.divf %scan3A_310#4, %max3A_534 : vector<16xf32>
      %ge3A_536 = arith.constant 5.000000e-01 : f32
      %ge3A_537 = vector.broadcast %ge3A_536 : f32 to vector<16xf32>
      %ge3A_538 = arith.cmpf oge, %div3A_535, %ge3A_537 : vector<16xf32>
      %jit3A_539 = arith.constant -1 : i32
      %broadcast_in_dim3A_540 = vector.broadcast %jit3A_539 : i32 to vector<16xi32>
      %select_n3A_541 = arith.select %ge3A_538, %scan3A_310#3, %broadcast_in_dim3A_540 : vector<16xi1>, vector<16xi32>
      %swap3A_542 = arith.index_cast %add3A_248 : i32 to index
      %swap3A_543 = tpu.vector_load %arg21[%swap3A_542] {strides = array<i32>} : memref<640xi32, #tpu.memory_space<vmem>>, vector<16xi32>,
      tpu.vector_store %arg21[%swap3A_542], %select_n3A_541 {strides = array<i32>} : memref<640xi32, #tpu.memory_space<vmem>>, vector<16xi32>,
      %jit3A_544 = arith.constant 0 : i32
      %broadcast_in_dim3A_545 = vector.broadcast %jit3A_544 : i32 to vector<16xi32>
      %select_n3A_546 = arith.select %ge3A_538, %scan3A_310#3, %broadcast_in_dim3A_545 : vector<16xi1>, vector<16xi32>
      %gather3A_547 = tpu.vector_load_idx %arg16[%select_n3A_546] : memref<128xf32, #tpu.memory_space<vmem>>[vector<16xi32>], vector<16xf32>,
      %gather3A_548 = tpu.vector_load_idx %arg17[%select_n3A_546] : memref<128xf32, #tpu.memory_space<vmem>>[vector<16xi32>], vector<16xf32>,
      %gather3A_549 = tpu.vector_load_idx %arg18[%select_n3A_546] : memref<128xf32, #tpu.memory_space<vmem>>[vector<16xi32>], vector<16xf32>,
      %gather3A_550 = tpu.vector_load_idx %arg19[%select_n3A_546] : memref<128xf32, #tpu.memory_space<vmem>>[vector<16xi32>], vector<16xf32>,
      %sub3A_551 = arith.subf %gather3A_549, %gather3A_547 : vector<16xf32>
      %max3A_552 = arith.constant 1.000000e+00 : f32
      %max3A_553 = vector.broadcast %max3A_552 : f32 to vector<16xf32>
      %max3A_554 = arith.maximumf %sub3A_551, %max3A_553 : vector<16xf32>
      %sub3A_555 = arith.subf %gather3A_550, %gather3A_548 : vector<16xf32>
      %max3A_556 = arith.constant 1.000000e+00 : f32
      %max3A_557 = vector.broadcast %max3A_556 : f32 to vector<16xf32>
      %max3A_558 = arith.maximumf %sub3A_555, %max3A_557 : vector<16xf32>
      %mul3A_559 = arith.constant 5.000000e-01 : f32
      %mul3A_560 = vector.broadcast %mul3A_559 : f32 to vector<16xf32>
      %mul3A_561 = arith.mulf %mul3A_560, %sub3A_530 : vector<16xf32>
      %add3A_562 = arith.addf %get3A_266, %mul3A_561 : vector<16xf32>
      %mul3A_563 = arith.constant 5.000000e-01 : f32
      %mul3A_564 = vector.broadcast %mul3A_563 : f32 to vector<16xf32>
      %mul3A_565 = arith.mulf %mul3A_564, %sub3A_531 : vector<16xf32>
      %add3A_566 = arith.addf %get3A_268, %mul3A_565 : vector<16xf32>
      %mul3A_567 = arith.constant 5.000000e-01 : f32
      %mul3A_568 = vector.broadcast %mul3A_567 : f32 to vector<16xf32>
      %mul3A_569 = arith.mulf %mul3A_568, %max3A_554 : vector<16xf32>
      %add3A_570 = arith.addf %gather3A_547, %mul3A_569 : vector<16xf32>
      %sub3A_571 = arith.subf %add3A_570, %add3A_562 : vector<16xf32>
      %div3A_572 = arith.divf %sub3A_571, %sub3A_530 : vector<16xf32>
      %mul3A_573 = arith.constant 1.000000e+01 : f32
      %mul3A_574 = vector.broadcast %mul3A_573 : f32 to vector<16xf32>
      %mul3A_575 = arith.mulf %div3A_572, %mul3A_574 : vector<16xf32>
      %swap3A_576 = arith.index_cast %add3A_248 : i32 to index
      %swap3A_577 = tpu.vector_load %arg22[%swap3A_576] {strides = array<i32>} : memref<640xf32, #tpu.memory_space<vmem>>, vector<16xf32>,
      tpu.vector_store %arg22[%swap3A_576], %mul3A_575 {strides = array<i32>} : memref<640xf32, #tpu.memory_space<vmem>>, vector<16xf32>,
      %mul3A_578 = arith.constant 5.000000e-01 : f32
      %mul3A_579 = vector.broadcast %mul3A_578 : f32 to vector<16xf32>
      %mul3A_580 = arith.mulf %mul3A_579, %max3A_558 : vector<16xf32>
      %add3A_581 = arith.addf %gather3A_548, %mul3A_580 : vector<16xf32>
      %sub3A_582 = arith.subf %add3A_581, %add3A_566 : vector<16xf32>
      %div3A_583 = arith.divf %sub3A_582, %sub3A_531 : vector<16xf32>
      %mul3A_584 = arith.constant 1.000000e+01 : f32
      %mul3A_585 = vector.broadcast %mul3A_584 : f32 to vector<16xf32>
      %mul3A_586 = arith.mulf %div3A_583, %mul3A_585 : vector<16xf32>
      %swap3A_587 = arith.index_cast %add3A_248 : i32 to index
      %swap3A_588 = tpu.vector_load %arg23[%swap3A_587] {strides = array<i32>} : memref<640xf32, #tpu.memory_space<vmem>>, vector<16xf32>,
      tpu.vector_store %arg23[%swap3A_587], %mul3A_586 {strides = array<i32>} : memref<640xf32, #tpu.memory_space<vmem>>, vector<16xf32>,
      %div3A_589 = arith.divf %max3A_554, %sub3A_530 : vector<16xf32>
      %bitcast3A_590 = vector.bitcast %div3A_589 : vector<16xf32> to vector<16xi32>
      %shift_right_arithmetic3A_591 = arith.constant 23 : i32
      %shift_right_arithmetic3A_592 = vector.broadcast %shift_right_arithmetic3A_591 : i32 to vector<16xi32>
      %shift_right_arithmetic3A_593 = arith.shrsi %bitcast3A_590, %shift_right_arithmetic3A_592 : vector<16xi32>
      %sub3A_594 = arith.constant 127 : i32
      %sub3A_595 = vector.broadcast %sub3A_594 : i32 to vector<16xi32>
      %sub3A_596 = arith.subi %shift_right_arithmetic3A_593, %sub3A_595 : vector<16xi32>
      %and3A_597 = arith.constant 8388607 : i32
      %and3A_598 = vector.broadcast %and3A_597 : i32 to vector<16xi32>
      %and3A_599 = arith.andi %bitcast3A_590, %and3A_598 : vector<16xi32>
      %or3A_600 = arith.constant 1065353216 : i32
      %or3A_601 = vector.broadcast %or3A_600 : i32 to vector<16xi32>
      %or3A_602 = arith.ori %and3A_599, %or3A_601 : vector<16xi32>
      %bitcast3A_603 = vector.bitcast %or3A_602 : vector<16xi32> to vector<16xf32>
      %gt3A_604 = arith.constant 1.41421354 : f32
      %gt3A_605 = vector.broadcast %gt3A_604 : f32 to vector<16xf32>
      %gt3A_606 = arith.cmpf ogt, %bitcast3A_603, %gt3A_605 : vector<16xf32>
      %mul3A_607 = arith.constant 5.000000e-01 : f32
      %mul3A_608 = vector.broadcast %mul3A_607 : f32 to vector<16xf32>
      %mul3A_609 = arith.mulf %mul3A_608, %bitcast3A_603 : vector<16xf32>
      %select_n3A_610 = arith.select %gt3A_606, %mul3A_609, %bitcast3A_603 : vector<16xi1>, vector<16xf32>
      %add3A_611 = arith.constant 1 : i32
      %add3A_612 = vector.broadcast %add3A_611 : i32 to vector<16xi32>
      %add3A_613 = arith.addi %sub3A_596, %add3A_612 : vector<16xi32>
      %select_n3A_614 = arith.select %gt3A_606, %add3A_613, %sub3A_596 : vector<16xi1>, vector<16xi32>
      %sub3A_615 = arith.constant 1.000000e+00 : f32
      %sub3A_616 = vector.broadcast %sub3A_615 : f32 to vector<16xf32>
      %sub3A_617 = arith.subf %select_n3A_610, %sub3A_616 : vector<16xf32>
      %add3A_618 = arith.constant 1.000000e+00 : f32
      %add3A_619 = vector.broadcast %add3A_618 : f32 to vector<16xf32>
      %add3A_620 = arith.addf %select_n3A_610, %add3A_619 : vector<16xf32>
      %div3A_621 = arith.divf %sub3A_617, %add3A_620 : vector<16xf32>
      %mul3A_622 = arith.mulf %div3A_621, %div3A_621 : vector<16xf32>
      %mul3A_623 = arith.constant 0.222222224 : f32
      %mul3A_624 = vector.broadcast %mul3A_623 : f32 to vector<16xf32>
      %mul3A_625 = arith.mulf %mul3A_622, %mul3A_624 : vector<16xf32>
      %add3A_626 = arith.constant 0.285714298 : f32
      %add3A_627 = vector.broadcast %add3A_626 : f32 to vector<16xf32>
      %add3A_628 = arith.addf %add3A_627, %mul3A_625 : vector<16xf32>
      %mul3A_629 = arith.mulf %mul3A_622, %add3A_628 : vector<16xf32>
      %add3A_630 = arith.constant 4.000000e-01 : f32
      %add3A_631 = vector.broadcast %add3A_630 : f32 to vector<16xf32>
      %add3A_632 = arith.addf %add3A_631, %mul3A_629 : vector<16xf32>
      %mul3A_633 = arith.mulf %mul3A_622, %add3A_632 : vector<16xf32>
      %add3A_634 = arith.constant 0.666666686 : f32
      %add3A_635 = vector.broadcast %add3A_634 : f32 to vector<16xf32>
      %add3A_636 = arith.addf %add3A_635, %mul3A_633 : vector<16xf32>
      %mul3A_637 = arith.mulf %mul3A_622, %add3A_636 : vector<16xf32>
      %add3A_638 = arith.constant 2.000000e+00 : f32
      %add3A_639 = vector.broadcast %add3A_638 : f32 to vector<16xf32>
      %add3A_640 = arith.addf %add3A_639, %mul3A_637 : vector<16xf32>
      %convert_element_type3A_641 = arith.sitofp %select_n3A_614 : vector<16xi32> to vector<16xf32>
      %mul3A_642 = arith.constant 0.693147182 : f32
      %mul3A_643 = vector.broadcast %mul3A_642 : f32 to vector<16xf32>
      %mul3A_644 = arith.mulf %convert_element_type3A_641, %mul3A_643 : vector<16xf32>
      %mul3A_645 = arith.mulf %div3A_621, %add3A_640 : vector<16xf32>
      %add3A_646 = arith.addf %mul3A_644, %mul3A_645 : vector<16xf32>
      %mul3A_647 = arith.constant 5.000000e+00 : f32
      %mul3A_648 = vector.broadcast %mul3A_647 : f32 to vector<16xf32>
      %mul3A_649 = arith.mulf %add3A_646, %mul3A_648 : vector<16xf32>
      %swap3A_650 = arith.index_cast %add3A_248 : i32 to index
      %swap3A_651 = tpu.vector_load %arg24[%swap3A_650] {strides = array<i32>} : memref<640xf32, #tpu.memory_space<vmem>>, vector<16xf32>,
      tpu.vector_store %arg24[%swap3A_650], %mul3A_649 {strides = array<i32>} : memref<640xf32, #tpu.memory_space<vmem>>, vector<16xf32>,
      %div3A_652 = arith.divf %max3A_558, %sub3A_531 : vector<16xf32>
      %bitcast3A_653 = vector.bitcast %div3A_652 : vector<16xf32> to vector<16xi32>
      %shift_right_arithmetic3A_654 = arith.constant 23 : i32
      %shift_right_arithmetic3A_655 = vector.broadcast %shift_right_arithmetic3A_654 : i32 to vector<16xi32>
      %shift_right_arithmetic3A_656 = arith.shrsi %bitcast3A_653, %shift_right_arithmetic3A_655 : vector<16xi32>
      %sub3A_657 = arith.constant 127 : i32
      %sub3A_658 = vector.broadcast %sub3A_657 : i32 to vector<16xi32>
      %sub3A_659 = arith.subi %shift_right_arithmetic3A_656, %sub3A_658 : vector<16xi32>
      %and3A_660 = arith.constant 8388607 : i32
      %and3A_661 = vector.broadcast %and3A_660 : i32 to vector<16xi32>
      %and3A_662 = arith.andi %bitcast3A_653, %and3A_661 : vector<16xi32>
      %or3A_663 = arith.constant 1065353216 : i32
      %or3A_664 = vector.broadcast %or3A_663 : i32 to vector<16xi32>
      %or3A_665 = arith.ori %and3A_662, %or3A_664 : vector<16xi32>
      %bitcast3A_666 = vector.bitcast %or3A_665 : vector<16xi32> to vector<16xf32>
      %gt3A_667 = arith.constant 1.41421354 : f32
      %gt3A_668 = vector.broadcast %gt3A_667 : f32 to vector<16xf32>
      %gt3A_669 = arith.cmpf ogt, %bitcast3A_666, %gt3A_668 : vector<16xf32>
      %mul3A_670 = arith.constant 5.000000e-01 : f32
      %mul3A_671 = vector.broadcast %mul3A_670 : f32 to vector<16xf32>
      %mul3A_672 = arith.mulf %mul3A_671, %bitcast3A_666 : vector<16xf32>
      %select_n3A_673 = arith.select %gt3A_669, %mul3A_672, %bitcast3A_666 : vector<16xi1>, vector<16xf32>
      %add3A_674 = arith.constant 1 : i32
      %add3A_675 = vector.broadcast %add3A_674 : i32 to vector<16xi32>
      %add3A_676 = arith.addi %sub3A_659, %add3A_675 : vector<16xi32>
      %select_n3A_677 = arith.select %gt3A_669, %add3A_676, %sub3A_659 : vector<16xi1>, vector<16xi32>
      %sub3A_678 = arith.constant 1.000000e+00 : f32
      %sub3A_679 = vector.broadcast %sub3A_678 : f32 to vector<16xf32>
      %sub3A_680 = arith.subf %select_n3A_673, %sub3A_679 : vector<16xf32>
      %add3A_681 = arith.constant 1.000000e+00 : f32
      %add3A_682 = vector.broadcast %add3A_681 : f32 to vector<16xf32>
      %add3A_683 = arith.addf %select_n3A_673, %add3A_682 : vector<16xf32>
      %div3A_684 = arith.divf %sub3A_680, %add3A_683 : vector<16xf32>
      %mul3A_685 = arith.mulf %div3A_684, %div3A_684 : vector<16xf32>
      %mul3A_686 = arith.constant 0.222222224 : f32
      %mul3A_687 = vector.broadcast %mul3A_686 : f32 to vector<16xf32>
      %mul3A_688 = arith.mulf %mul3A_685, %mul3A_687 : vector<16xf32>
      %add3A_689 = arith.constant 0.285714298 : f32
      %add3A_690 = vector.broadcast %add3A_689 : f32 to vector<16xf32>
      %add3A_691 = arith.addf %add3A_690, %mul3A_688 : vector<16xf32>
      %mul3A_692 = arith.mulf %mul3A_685, %add3A_691 : vector<16xf32>
      %add3A_693 = arith.constant 4.000000e-01 : f32
      %add3A_694 = vector.broadcast %add3A_693 : f32 to vector<16xf32>
      %add3A_695 = arith.addf %add3A_694, %mul3A_692 : vector<16xf32>
      %mul3A_696 = arith.mulf %mul3A_685, %add3A_695 : vector<16xf32>
      %add3A_697 = arith.constant 0.666666686 : f32
      %add3A_698 = vector.broadcast %add3A_697 : f32 to vector<16xf32>
      %add3A_699 = arith.addf %add3A_698, %mul3A_696 : vector<16xf32>
      %mul3A_700 = arith.mulf %mul3A_685, %add3A_699 : vector<16xf32>
      %add3A_701 = arith.constant 2.000000e+00 : f32
      %add3A_702 = vector.broadcast %add3A_701 : f32 to vector<16xf32>
      %add3A_703 = arith.addf %add3A_702, %mul3A_700 : vector<16xf32>
      %convert_element_type3A_704 = arith.sitofp %select_n3A_677 : vector<16xi32> to vector<16xf32>
      %mul3A_705 = arith.constant 0.693147182 : f32
      %mul3A_706 = vector.broadcast %mul3A_705 : f32 to vector<16xf32>
      %mul3A_707 = arith.mulf %convert_element_type3A_704, %mul3A_706 : vector<16xf32>
      %mul3A_708 = arith.mulf %div3A_684, %add3A_703 : vector<16xf32>
      %add3A_709 = arith.addf %mul3A_707, %mul3A_708 : vector<16xf32>
      %mul3A_710 = arith.constant 5.000000e+00 : f32
      %mul3A_711 = vector.broadcast %mul3A_710 : f32 to vector<16xf32>
      %mul3A_712 = arith.mulf %add3A_709, %mul3A_711 : vector<16xf32>
      %swap3A_713 = arith.index_cast %add3A_248 : i32 to index
      %swap3A_714 = tpu.vector_load %arg25[%swap3A_713] {strides = array<i32>} : memref<640xf32, #tpu.memory_space<vmem>>, vector<16xf32>,
      tpu.vector_store %arg25[%swap3A_713], %mul3A_712 {strides = array<i32>} : memref<640xf32, #tpu.memory_space<vmem>>, vector<16xf32>,
      %get3A_715 = arith.index_cast %add3A_248 : i32 to index
      %get3A_716 = tpu.vector_load %arg12[%get3A_715] {strides = array<i32>} : memref<640xf32, #tpu.memory_space<vmem>>, vector<16xf32>,
      %mul3A_717 = arith.constant 1.000000e-01 : f32
      %mul3A_718 = vector.broadcast %mul3A_717 : f32 to vector<16xf32>
      %mul3A_719 = arith.mulf %get3A_716, %mul3A_718 : vector<16xf32>
      %get3A_720 = arith.index_cast %add3A_248 : i32 to index
      %get3A_721 = tpu.vector_load %arg13[%get3A_720] {strides = array<i32>} : memref<640xf32, #tpu.memory_space<vmem>>, vector<16xf32>,
      %mul3A_722 = arith.constant 1.000000e-01 : f32
      %mul3A_723 = vector.broadcast %mul3A_722 : f32 to vector<16xf32>
      %mul3A_724 = arith.mulf %get3A_721, %mul3A_723 : vector<16xf32>
      %get3A_725 = arith.index_cast %add3A_248 : i32 to index
      %get3A_726 = tpu.vector_load %arg14[%get3A_725] {strides = array<i32>} : memref<640xf32, #tpu.memory_space<vmem>>, vector<16xf32>,
      %mul3A_727 = arith.constant 2.000000e-01 : f32
      %mul3A_728 = vector.broadcast %mul3A_727 : f32 to vector<16xf32>
      %mul3A_729 = arith.mulf %get3A_726, %mul3A_728 : vector<16xf32>
      %get3A_730 = arith.index_cast %add3A_248 : i32 to index
      %get3A_731 = tpu.vector_load %arg15[%get3A_730] {strides = array<i32>} : memref<640xf32, #tpu.memory_space<vmem>>, vector<16xf32>,
      %mul3A_732 = arith.constant 2.000000e-01 : f32
      %mul3A_733 = vector.broadcast %mul3A_732 : f32 to vector<16xf32>
      %mul3A_734 = arith.mulf %get3A_731, %mul3A_733 : vector<16xf32>
      %mul3A_735 = arith.mulf %mul3A_719, %sub3A_530 : vector<16xf32>
      %add3A_736 = arith.addf %add3A_562, %mul3A_735 : vector<16xf32>
      %mul3A_737 = arith.mulf %mul3A_724, %sub3A_531 : vector<16xf32>
      %add3A_738 = arith.addf %add3A_566, %mul3A_737 : vector<16xf32>
      %exp3A_739 = math.exp %mul3A_729 : vector<16xf32>
      %mul3A_740 = arith.mulf %exp3A_739, %sub3A_530 : vector<16xf32>
      %exp3A_741 = math.exp %mul3A_734 : vector<16xf32>
      %mul3A_742 = arith.mulf %exp3A_741, %sub3A_531 : vector<16xf32>
      %mul3A_743 = arith.constant 5.000000e-01 : f32
      %mul3A_744 = vector.broadcast %mul3A_743 : f32 to vector<16xf32>
      %mul3A_745 = arith.mulf %mul3A_744, %mul3A_740 : vector<16xf32>
      %sub3A_746 = arith.subf %add3A_736, %mul3A_745 : vector<16xf32>
      %mul3A_747 = arith.constant 5.000000e-01 : f32
      %mul3A_748 = vector.broadcast %mul3A_747 : f32 to vector<16xf32>
      %mul3A_749 = arith.mulf %mul3A_748, %mul3A_742 : vector<16xf32>
      %sub3A_750 = arith.subf %add3A_738, %mul3A_749 : vector<16xf32>
      %swap3A_751 = arith.index_cast %add3A_248 : i32 to index
      %swap3A_752 = tpu.vector_load %arg26[%swap3A_751] {strides = array<i32>} : memref<640xf32, #tpu.memory_space<vmem>>, vector<16xf32>,
      tpu.vector_store %arg26[%swap3A_751], %sub3A_746 {strides = array<i32>} : memref<640xf32, #tpu.memory_space<vmem>>, vector<16xf32>,
      %swap3A_753 = arith.index_cast %add3A_248 : i32 to index
      %swap3A_754 = tpu.vector_load %arg27[%swap3A_753] {strides = array<i32>} : memref<640xf32, #tpu.memory_space<vmem>>, vector<16xf32>,
      tpu.vector_store %arg27[%swap3A_753], %sub3A_750 {strides = array<i32>} : memref<640xf32, #tpu.memory_space<vmem>>, vector<16xf32>,
      %add3A_755 = arith.addf %sub3A_746, %mul3A_740 : vector<16xf32>
      %swap3A_756 = arith.index_cast %add3A_248 : i32 to index
      %swap3A_757 = tpu.vector_load %arg28[%swap3A_756] {strides = array<i32>} : memref<640xf32, #tpu.memory_space<vmem>>, vector<16xf32>,
      tpu.vector_store %arg28[%swap3A_756], %add3A_755 {strides = array<i32>} : memref<640xf32, #tpu.memory_space<vmem>>, vector<16xf32>,
      %add3A_758 = arith.addf %sub3A_750, %mul3A_742 : vector<16xf32>
      %swap3A_759 = arith.index_cast %add3A_248 : i32 to index
      %swap3A_760 = tpu.vector_load %arg29[%swap3A_759] {strides = array<i32>} : memref<640xf32, #tpu.memory_space<vmem>>, vector<16xf32>,
      tpu.vector_store %arg29[%swap3A_759], %add3A_758 {strides = array<i32>} : memref<640xf32, #tpu.memory_space<vmem>>, vector<16xf32>,
      %sub3A_761 = arith.subf %get3A_278, %get3A_274 : vector<16xf32>
      %sub3A_762 = arith.subf %get3A_280, %get3A_276 : vector<16xf32>
      %max3A_763 = arith.constant 9.99999971E-10 : f32
      %max3A_764 = vector.broadcast %max3A_763 : f32 to vector<16xf32>
      %max3A_765 = arith.maximumf %scan3A_310#8, %max3A_764 : vector<16xf32>
      %div3A_766 = arith.divf %scan3A_310#7, %max3A_765 : vector<16xf32>
      %ge3A_767 = arith.constant 5.000000e-01 : f32
      %ge3A_768 = vector.broadcast %ge3A_767 : f32 to vector<16xf32>
      %ge3A_769 = arith.cmpf oge, %div3A_766, %ge3A_768 : vector<16xf32>
      %jit3A_770 = arith.constant -1 : i32
      %broadcast_in_dim3A_771 = vector.broadcast %jit3A_770 : i32 to vector<16xi32>
      %select_n3A_772 = arith.select %ge3A_769, %scan3A_310#6, %broadcast_in_dim3A_771 : vector<16xi1>, vector<16xi32>
      %swap3A_773 = arith.index_cast %add3A_252 : i32 to index
      %swap3A_774 = tpu.vector_load %arg21[%swap3A_773] {strides = array<i32>} : memref<640xi32, #tpu.memory_space<vmem>>, vector<16xi32>,
      tpu.vector_store %arg21[%swap3A_773], %select_n3A_772 {strides = array<i32>} : memref<640xi32, #tpu.memory_space<vmem>>, vector<16xi32>,
      %jit3A_775 = arith.constant 0 : i32
      %broadcast_in_dim3A_776 = vector.broadcast %jit3A_775 : i32 to vector<16xi32>
      %select_n3A_777 = arith.select %ge3A_769, %scan3A_310#6, %broadcast_in_dim3A_776 : vector<16xi1>, vector<16xi32>
      %gather3A_778 = tpu.vector_load_idx %arg16[%select_n3A_777] : memref<128xf32, #tpu.memory_space<vmem>>[vector<16xi32>], vector<16xf32>,
      %gather3A_779 = tpu.vector_load_idx %arg17[%select_n3A_777] : memref<128xf32, #tpu.memory_space<vmem>>[vector<16xi32>], vector<16xf32>,
      %gather3A_780 = tpu.vector_load_idx %arg18[%select_n3A_777] : memref<128xf32, #tpu.memory_space<vmem>>[vector<16xi32>], vector<16xf32>,
      %gather3A_781 = tpu.vector_load_idx %arg19[%select_n3A_777] : memref<128xf32, #tpu.memory_space<vmem>>[vector<16xi32>], vector<16xf32>,
      %sub3A_782 = arith.subf %gather3A_780, %gather3A_778 : vector<16xf32>
      %max3A_783 = arith.constant 1.000000e+00 : f32
      %max3A_784 = vector.broadcast %max3A_783 : f32 to vector<16xf32>
      %max3A_785 = arith.maximumf %sub3A_782, %max3A_784 : vector<16xf32>
      %sub3A_786 = arith.subf %gather3A_781, %gather3A_779 : vector<16xf32>
      %max3A_787 = arith.constant 1.000000e+00 : f32
      %max3A_788 = vector.broadcast %max3A_787 : f32 to vector<16xf32>
      %max3A_789 = arith.maximumf %sub3A_786, %max3A_788 : vector<16xf32>
      %mul3A_790 = arith.constant 5.000000e-01 : f32
      %mul3A_791 = vector.broadcast %mul3A_790 : f32 to vector<16xf32>
      %mul3A_792 = arith.mulf %mul3A_791, %sub3A_761 : vector<16xf32>
      %add3A_793 = arith.addf %get3A_274, %mul3A_792 : vector<16xf32>
      %mul3A_794 = arith.constant 5.000000e-01 : f32
      %mul3A_795 = vector.broadcast %mul3A_794 : f32 to vector<16xf32>
      %mul3A_796 = arith.mulf %mul3A_795, %sub3A_762 : vector<16xf32>
      %add3A_797 = arith.addf %get3A_276, %mul3A_796 : vector<16xf32>
      %mul3A_798 = arith.constant 5.000000e-01 : f32
      %mul3A_799 = vector.broadcast %mul3A_798 : f32 to vector<16xf32>
      %mul3A_800 = arith.mulf %mul3A_799, %max3A_785 : vector<16xf32>
      %add3A_801 = arith.addf %gather3A_778, %mul3A_800 : vector<16xf32>
      %sub3A_802 = arith.subf %add3A_801, %add3A_793 : vector<16xf32>
      %div3A_803 = arith.divf %sub3A_802, %sub3A_761 : vector<16xf32>
      %mul3A_804 = arith.constant 1.000000e+01 : f32
      %mul3A_805 = vector.broadcast %mul3A_804 : f32 to vector<16xf32>
      %mul3A_806 = arith.mulf %div3A_803, %mul3A_805 : vector<16xf32>
      %swap3A_807 = arith.index_cast %add3A_252 : i32 to index
      %swap3A_808 = tpu.vector_load %arg22[%swap3A_807] {strides = array<i32>} : memref<640xf32, #tpu.memory_space<vmem>>, vector<16xf32>,
      tpu.vector_store %arg22[%swap3A_807], %mul3A_806 {strides = array<i32>} : memref<640xf32, #tpu.memory_space<vmem>>, vector<16xf32>,
      %mul3A_809 = arith.constant 5.000000e-01 : f32
      %mul3A_810 = vector.broadcast %mul3A_809 : f32 to vector<16xf32>
      %mul3A_811 = arith.mulf %mul3A_810, %max3A_789 : vector<16xf32>
      %add3A_812 = arith.addf %gather3A_779, %mul3A_811 : vector<16xf32>
      %sub3A_813 = arith.subf %add3A_812, %add3A_797 : vector<16xf32>
      %div3A_814 = arith.divf %sub3A_813, %sub3A_762 : vector<16xf32>
      %mul3A_815 = arith.constant 1.000000e+01 : f32
      %mul3A_816 = vector.broadcast %mul3A_815 : f32 to vector<16xf32>
      %mul3A_817 = arith.mulf %div3A_814, %mul3A_816 : vector<16xf32>
      %swap3A_818 = arith.index_cast %add3A_252 : i32 to index
      %swap3A_819 = tpu.vector_load %arg23[%swap3A_818] {strides = array<i32>} : memref<640xf32, #tpu.memory_space<vmem>>, vector<16xf32>,
      tpu.vector_store %arg23[%swap3A_818], %mul3A_817 {strides = array<i32>} : memref<640xf32, #tpu.memory_space<vmem>>, vector<16xf32>,
      %div3A_820 = arith.divf %max3A_785, %sub3A_761 : vector<16xf32>
      %bitcast3A_821 = vector.bitcast %div3A_820 : vector<16xf32> to vector<16xi32>
      %shift_right_arithmetic3A_822 = arith.constant 23 : i32
      %shift_right_arithmetic3A_823 = vector.broadcast %shift_right_arithmetic3A_822 : i32 to vector<16xi32>
      %shift_right_arithmetic3A_824 = arith.shrsi %bitcast3A_821, %shift_right_arithmetic3A_823 : vector<16xi32>
      %sub3A_825 = arith.constant 127 : i32
      %sub3A_826 = vector.broadcast %sub3A_825 : i32 to vector<16xi32>
      %sub3A_827 = arith.subi %shift_right_arithmetic3A_824, %sub3A_826 : vector<16xi32>
      %and3A_828 = arith.constant 8388607 : i32
      %and3A_829 = vector.broadcast %and3A_828 : i32 to vector<16xi32>
      %and3A_830 = arith.andi %bitcast3A_821, %and3A_829 : vector<16xi32>
      %or3A_831 = arith.constant 1065353216 : i32
      %or3A_832 = vector.broadcast %or3A_831 : i32 to vector<16xi32>
      %or3A_833 = arith.ori %and3A_830, %or3A_832 : vector<16xi32>
      %bitcast3A_834 = vector.bitcast %or3A_833 : vector<16xi32> to vector<16xf32>
      %gt3A_835 = arith.constant 1.41421354 : f32
      %gt3A_836 = vector.broadcast %gt3A_835 : f32 to vector<16xf32>
      %gt3A_837 = arith.cmpf ogt, %bitcast3A_834, %gt3A_836 : vector<16xf32>
      %mul3A_838 = arith.constant 5.000000e-01 : f32
      %mul3A_839 = vector.broadcast %mul3A_838 : f32 to vector<16xf32>
      %mul3A_840 = arith.mulf %mul3A_839, %bitcast3A_834 : vector<16xf32>
      %select_n3A_841 = arith.select %gt3A_837, %mul3A_840, %bitcast3A_834 : vector<16xi1>, vector<16xf32>
      %add3A_842 = arith.constant 1 : i32
      %add3A_843 = vector.broadcast %add3A_842 : i32 to vector<16xi32>
      %add3A_844 = arith.addi %sub3A_827, %add3A_843 : vector<16xi32>
      %select_n3A_845 = arith.select %gt3A_837, %add3A_844, %sub3A_827 : vector<16xi1>, vector<16xi32>
      %sub3A_846 = arith.constant 1.000000e+00 : f32
      %sub3A_847 = vector.broadcast %sub3A_846 : f32 to vector<16xf32>
      %sub3A_848 = arith.subf %select_n3A_841, %sub3A_847 : vector<16xf32>
      %add3A_849 = arith.constant 1.000000e+00 : f32
      %add3A_850 = vector.broadcast %add3A_849 : f32 to vector<16xf32>
      %add3A_851 = arith.addf %select_n3A_841, %add3A_850 : vector<16xf32>
      %div3A_852 = arith.divf %sub3A_848, %add3A_851 : vector<16xf32>
      %mul3A_853 = arith.mulf %div3A_852, %div3A_852 : vector<16xf32>
      %mul3A_854 = arith.constant 0.222222224 : f32
      %mul3A_855 = vector.broadcast %mul3A_854 : f32 to vector<16xf32>
      %mul3A_856 = arith.mulf %mul3A_853, %mul3A_855 : vector<16xf32>
      %add3A_857 = arith.constant 0.285714298 : f32
      %add3A_858 = vector.broadcast %add3A_857 : f32 to vector<16xf32>
      %add3A_859 = arith.addf %add3A_858, %mul3A_856 : vector<16xf32>
      %mul3A_860 = arith.mulf %mul3A_853, %add3A_859 : vector<16xf32>
      %add3A_861 = arith.constant 4.000000e-01 : f32
      %add3A_862 = vector.broadcast %add3A_861 : f32 to vector<16xf32>
      %add3A_863 = arith.addf %add3A_862, %mul3A_860 : vector<16xf32>
      %mul3A_864 = arith.mulf %mul3A_853, %add3A_863 : vector<16xf32>
      %add3A_865 = arith.constant 0.666666686 : f32
      %add3A_866 = vector.broadcast %add3A_865 : f32 to vector<16xf32>
      %add3A_867 = arith.addf %add3A_866, %mul3A_864 : vector<16xf32>
      %mul3A_868 = arith.mulf %mul3A_853, %add3A_867 : vector<16xf32>
      %add3A_869 = arith.constant 2.000000e+00 : f32
      %add3A_870 = vector.broadcast %add3A_869 : f32 to vector<16xf32>
      %add3A_871 = arith.addf %add3A_870, %mul3A_868 : vector<16xf32>
      %convert_element_type3A_872 = arith.sitofp %select_n3A_845 : vector<16xi32> to vector<16xf32>
      %mul3A_873 = arith.constant 0.693147182 : f32
      %mul3A_874 = vector.broadcast %mul3A_873 : f32 to vector<16xf32>
      %mul3A_875 = arith.mulf %convert_element_type3A_872, %mul3A_874 : vector<16xf32>
      %mul3A_876 = arith.mulf %div3A_852, %add3A_871 : vector<16xf32>
      %add3A_877 = arith.addf %mul3A_875, %mul3A_876 : vector<16xf32>
      %mul3A_878 = arith.constant 5.000000e+00 : f32
      %mul3A_879 = vector.broadcast %mul3A_878 : f32 to vector<16xf32>
      %mul3A_880 = arith.mulf %add3A_877, %mul3A_879 : vector<16xf32>
      %swap3A_881 = arith.index_cast %add3A_252 : i32 to index
      %swap3A_882 = tpu.vector_load %arg24[%swap3A_881] {strides = array<i32>} : memref<640xf32, #tpu.memory_space<vmem>>, vector<16xf32>,
      tpu.vector_store %arg24[%swap3A_881], %mul3A_880 {strides = array<i32>} : memref<640xf32, #tpu.memory_space<vmem>>, vector<16xf32>,
      %div3A_883 = arith.divf %max3A_789, %sub3A_762 : vector<16xf32>
      %bitcast3A_884 = vector.bitcast %div3A_883 : vector<16xf32> to vector<16xi32>
      %shift_right_arithmetic3A_885 = arith.constant 23 : i32
      %shift_right_arithmetic3A_886 = vector.broadcast %shift_right_arithmetic3A_885 : i32 to vector<16xi32>
      %shift_right_arithmetic3A_887 = arith.shrsi %bitcast3A_884, %shift_right_arithmetic3A_886 : vector<16xi32>
      %sub3A_888 = arith.constant 127 : i32
      %sub3A_889 = vector.broadcast %sub3A_888 : i32 to vector<16xi32>
      %sub3A_890 = arith.subi %shift_right_arithmetic3A_887, %sub3A_889 : vector<16xi32>
      %and3A_891 = arith.constant 8388607 : i32
      %and3A_892 = vector.broadcast %and3A_891 : i32 to vector<16xi32>
      %and3A_893 = arith.andi %bitcast3A_884, %and3A_892 : vector<16xi32>
      %or3A_894 = arith.constant 1065353216 : i32
      %or3A_895 = vector.broadcast %or3A_894 : i32 to vector<16xi32>
      %or3A_896 = arith.ori %and3A_893, %or3A_895 : vector<16xi32>
      %bitcast3A_897 = vector.bitcast %or3A_896 : vector<16xi32> to vector<16xf32>
      %gt3A_898 = arith.constant 1.41421354 : f32
      %gt3A_899 = vector.broadcast %gt3A_898 : f32 to vector<16xf32>
      %gt3A_900 = arith.cmpf ogt, %bitcast3A_897, %gt3A_899 : vector<16xf32>
      %mul3A_901 = arith.constant 5.000000e-01 : f32
      %mul3A_902 = vector.broadcast %mul3A_901 : f32 to vector<16xf32>
      %mul3A_903 = arith.mulf %mul3A_902, %bitcast3A_897 : vector<16xf32>
      %select_n3A_904 = arith.select %gt3A_900, %mul3A_903, %bitcast3A_897 : vector<16xi1>, vector<16xf32>
      %add3A_905 = arith.constant 1 : i32
      %add3A_906 = vector.broadcast %add3A_905 : i32 to vector<16xi32>
      %add3A_907 = arith.addi %sub3A_890, %add3A_906 : vector<16xi32>
      %select_n3A_908 = arith.select %gt3A_900, %add3A_907, %sub3A_890 : vector<16xi1>, vector<16xi32>
      %sub3A_909 = arith.constant 1.000000e+00 : f32
      %sub3A_910 = vector.broadcast %sub3A_909 : f32 to vector<16xf32>
      %sub3A_911 = arith.subf %select_n3A_904, %sub3A_910 : vector<16xf32>
      %add3A_912 = arith.constant 1.000000e+00 : f32
      %add3A_913 = vector.broadcast %add3A_912 : f32 to vector<16xf32>
      %add3A_914 = arith.addf %select_n3A_904, %add3A_913 : vector<16xf32>
      %div3A_915 = arith.divf %sub3A_911, %add3A_914 : vector<16xf32>
      %mul3A_916 = arith.mulf %div3A_915, %div3A_915 : vector<16xf32>
      %mul3A_917 = arith.constant 0.222222224 : f32
      %mul3A_918 = vector.broadcast %mul3A_917 : f32 to vector<16xf32>
      %mul3A_919 = arith.mulf %mul3A_916, %mul3A_918 : vector<16xf32>
      %add3A_920 = arith.constant 0.285714298 : f32
      %add3A_921 = vector.broadcast %add3A_920 : f32 to vector<16xf32>
      %add3A_922 = arith.addf %add3A_921, %mul3A_919 : vector<16xf32>
      %mul3A_923 = arith.mulf %mul3A_916, %add3A_922 : vector<16xf32>
      %add3A_924 = arith.constant 4.000000e-01 : f32
      %add3A_925 = vector.broadcast %add3A_924 : f32 to vector<16xf32>
      %add3A_926 = arith.addf %add3A_925, %mul3A_923 : vector<16xf32>
      %mul3A_927 = arith.mulf %mul3A_916, %add3A_926 : vector<16xf32>
      %add3A_928 = arith.constant 0.666666686 : f32
      %add3A_929 = vector.broadcast %add3A_928 : f32 to vector<16xf32>
      %add3A_930 = arith.addf %add3A_929, %mul3A_927 : vector<16xf32>
      %mul3A_931 = arith.mulf %mul3A_916, %add3A_930 : vector<16xf32>
      %add3A_932 = arith.constant 2.000000e+00 : f32
      %add3A_933 = vector.broadcast %add3A_932 : f32 to vector<16xf32>
      %add3A_934 = arith.addf %add3A_933, %mul3A_931 : vector<16xf32>
      %convert_element_type3A_935 = arith.sitofp %select_n3A_908 : vector<16xi32> to vector<16xf32>
      %mul3A_936 = arith.constant 0.693147182 : f32
      %mul3A_937 = vector.broadcast %mul3A_936 : f32 to vector<16xf32>
      %mul3A_938 = arith.mulf %convert_element_type3A_935, %mul3A_937 : vector<16xf32>
      %mul3A_939 = arith.mulf %div3A_915, %add3A_934 : vector<16xf32>
      %add3A_940 = arith.addf %mul3A_938, %mul3A_939 : vector<16xf32>
      %mul3A_941 = arith.constant 5.000000e+00 : f32
      %mul3A_942 = vector.broadcast %mul3A_941 : f32 to vector<16xf32>
      %mul3A_943 = arith.mulf %add3A_940, %mul3A_942 : vector<16xf32>
      %swap3A_944 = arith.index_cast %add3A_252 : i32 to index
      %swap3A_945 = tpu.vector_load %arg25[%swap3A_944] {strides = array<i32>} : memref<640xf32, #tpu.memory_space<vmem>>, vector<16xf32>,
      tpu.vector_store %arg25[%swap3A_944], %mul3A_943 {strides = array<i32>} : memref<640xf32, #tpu.memory_space<vmem>>, vector<16xf32>,
      %get3A_946 = arith.index_cast %add3A_252 : i32 to index
      %get3A_947 = tpu.vector_load %arg12[%get3A_946] {strides = array<i32>} : memref<640xf32, #tpu.memory_space<vmem>>, vector<16xf32>,
      %mul3A_948 = arith.constant 1.000000e-01 : f32
      %mul3A_949 = vector.broadcast %mul3A_948 : f32 to vector<16xf32>
      %mul3A_950 = arith.mulf %get3A_947, %mul3A_949 : vector<16xf32>
      %get3A_951 = arith.index_cast %add3A_252 : i32 to index
      %get3A_952 = tpu.vector_load %arg13[%get3A_951] {strides = array<i32>} : memref<640xf32, #tpu.memory_space<vmem>>, vector<16xf32>,
      %mul3A_953 = arith.constant 1.000000e-01 : f32
      %mul3A_954 = vector.broadcast %mul3A_953 : f32 to vector<16xf32>
      %mul3A_955 = arith.mulf %get3A_952, %mul3A_954 : vector<16xf32>
      %get3A_956 = arith.index_cast %add3A_252 : i32 to index
      %get3A_957 = tpu.vector_load %arg14[%get3A_956] {strides = array<i32>} : memref<640xf32, #tpu.memory_space<vmem>>, vector<16xf32>,
      %mul3A_958 = arith.constant 2.000000e-01 : f32
      %mul3A_959 = vector.broadcast %mul3A_958 : f32 to vector<16xf32>
      %mul3A_960 = arith.mulf %get3A_957, %mul3A_959 : vector<16xf32>
      %get3A_961 = arith.index_cast %add3A_252 : i32 to index
      %get3A_962 = tpu.vector_load %arg15[%get3A_961] {strides = array<i32>} : memref<640xf32, #tpu.memory_space<vmem>>, vector<16xf32>,
      %mul3A_963 = arith.constant 2.000000e-01 : f32
      %mul3A_964 = vector.broadcast %mul3A_963 : f32 to vector<16xf32>
      %mul3A_965 = arith.mulf %get3A_962, %mul3A_964 : vector<16xf32>
      %mul3A_966 = arith.mulf %mul3A_950, %sub3A_761 : vector<16xf32>
      %add3A_967 = arith.addf %add3A_793, %mul3A_966 : vector<16xf32>
      %mul3A_968 = arith.mulf %mul3A_955, %sub3A_762 : vector<16xf32>
      %add3A_969 = arith.addf %add3A_797, %mul3A_968 : vector<16xf32>
      %exp3A_970 = math.exp %mul3A_960 : vector<16xf32>
      %mul3A_971 = arith.mulf %exp3A_970, %sub3A_761 : vector<16xf32>
      %exp3A_972 = math.exp %mul3A_965 : vector<16xf32>
      %mul3A_973 = arith.mulf %exp3A_972, %sub3A_762 : vector<16xf32>
      %mul3A_974 = arith.constant 5.000000e-01 : f32
      %mul3A_975 = vector.broadcast %mul3A_974 : f32 to vector<16xf32>
      %mul3A_976 = arith.mulf %mul3A_975, %mul3A_971 : vector<16xf32>
      %sub3A_977 = arith.subf %add3A_967, %mul3A_976 : vector<16xf32>
      %mul3A_978 = arith.constant 5.000000e-01 : f32
      %mul3A_979 = vector.broadcast %mul3A_978 : f32 to vector<16xf32>
      %mul3A_980 = arith.mulf %mul3A_979, %mul3A_973 : vector<16xf32>
      %sub3A_981 = arith.subf %add3A_969, %mul3A_980 : vector<16xf32>
      %swap3A_982 = arith.index_cast %add3A_252 : i32 to index
      %swap3A_983 = tpu.vector_load %arg26[%swap3A_982] {strides = array<i32>} : memref<640xf32, #tpu.memory_space<vmem>>, vector<16xf32>,
      tpu.vector_store %arg26[%swap3A_982], %sub3A_977 {strides = array<i32>} : memref<640xf32, #tpu.memory_space<vmem>>, vector<16xf32>,
      %swap3A_984 = arith.index_cast %add3A_252 : i32 to index
      %swap3A_985 = tpu.vector_load %arg27[%swap3A_984] {strides = array<i32>} : memref<640xf32, #tpu.memory_space<vmem>>, vector<16xf32>,
      tpu.vector_store %arg27[%swap3A_984], %sub3A_981 {strides = array<i32>} : memref<640xf32, #tpu.memory_space<vmem>>, vector<16xf32>,
      %add3A_986 = arith.addf %sub3A_977, %mul3A_971 : vector<16xf32>
      %swap3A_987 = arith.index_cast %add3A_252 : i32 to index
      %swap3A_988 = tpu.vector_load %arg28[%swap3A_987] {strides = array<i32>} : memref<640xf32, #tpu.memory_space<vmem>>, vector<16xf32>,
      tpu.vector_store %arg28[%swap3A_987], %add3A_986 {strides = array<i32>} : memref<640xf32, #tpu.memory_space<vmem>>, vector<16xf32>,
      %add3A_989 = arith.addf %sub3A_981, %mul3A_973 : vector<16xf32>
      %swap3A_990 = arith.index_cast %add3A_252 : i32 to index
      %swap3A_991 = tpu.vector_load %arg29[%swap3A_990] {strides = array<i32>} : memref<640xf32, #tpu.memory_space<vmem>>, vector<16xf32>,
      tpu.vector_store %arg29[%swap3A_990], %add3A_989 {strides = array<i32>} : memref<640xf32, #tpu.memory_space<vmem>>, vector<16xf32>,
      %sub3A_992 = arith.subf %get3A_286, %get3A_282 : vector<16xf32>
      %sub3A_993 = arith.subf %get3A_288, %get3A_284 : vector<16xf32>
      %max3A_994 = arith.constant 9.99999971E-10 : f32
      %max3A_995 = vector.broadcast %max3A_994 : f32 to vector<16xf32>
      %max3A_996 = arith.maximumf %scan3A_310#11, %max3A_995 : vector<16xf32>
      %div3A_997 = arith.divf %scan3A_310#10, %max3A_996 : vector<16xf32>
      %ge3A_998 = arith.constant 5.000000e-01 : f32
      %ge3A_999 = vector.broadcast %ge3A_998 : f32 to vector<16xf32>
      %ge3A_1000 = arith.cmpf oge, %div3A_997, %ge3A_999 : vector<16xf32>
      %jit3A_1001 = arith.constant -1 : i32
      %broadcast_in_dim3A_1002 = vector.broadcast %jit3A_1001 : i32 to vector<16xi32>
      %select_n3A_1003 = arith.select %ge3A_1000, %scan3A_310#9, %broadcast_in_dim3A_1002 : vector<16xi1>, vector<16xi32>
      %swap3A_1004 = arith.index_cast %add3A_256 : i32 to index
      %swap3A_1005 = tpu.vector_load %arg21[%swap3A_1004] {strides = array<i32>} : memref<640xi32, #tpu.memory_space<vmem>>, vector<16xi32>,
      tpu.vector_store %arg21[%swap3A_1004], %select_n3A_1003 {strides = array<i32>} : memref<640xi32, #tpu.memory_space<vmem>>, vector<16xi32>,
      %jit3A_1006 = arith.constant 0 : i32
      %broadcast_in_dim3A_1007 = vector.broadcast %jit3A_1006 : i32 to vector<16xi32>
      %select_n3A_1008 = arith.select %ge3A_1000, %scan3A_310#9, %broadcast_in_dim3A_1007 : vector<16xi1>, vector<16xi32>
      %gather3A_1009 = tpu.vector_load_idx %arg16[%select_n3A_1008] : memref<128xf32, #tpu.memory_space<vmem>>[vector<16xi32>], vector<16xf32>,
      %gather3A_1010 = tpu.vector_load_idx %arg17[%select_n3A_1008] : memref<128xf32, #tpu.memory_space<vmem>>[vector<16xi32>], vector<16xf32>,
      %gather3A_1011 = tpu.vector_load_idx %arg18[%select_n3A_1008] : memref<128xf32, #tpu.memory_space<vmem>>[vector<16xi32>], vector<16xf32>,
      %gather3A_1012 = tpu.vector_load_idx %arg19[%select_n3A_1008] : memref<128xf32, #tpu.memory_space<vmem>>[vector<16xi32>], vector<16xf32>,
      %sub3A_1013 = arith.subf %gather3A_1011, %gather3A_1009 : vector<16xf32>
      %max3A_1014 = arith.constant 1.000000e+00 : f32
      %max3A_1015 = vector.broadcast %max3A_1014 : f32 to vector<16xf32>
      %max3A_1016 = arith.maximumf %sub3A_1013, %max3A_1015 : vector<16xf32>
      %sub3A_1017 = arith.subf %gather3A_1012, %gather3A_1010 : vector<16xf32>
      %max3A_1018 = arith.constant 1.000000e+00 : f32
      %max3A_1019 = vector.broadcast %max3A_1018 : f32 to vector<16xf32>
      %max3A_1020 = arith.maximumf %sub3A_1017, %max3A_1019 : vector<16xf32>
      %mul3A_1021 = arith.constant 5.000000e-01 : f32
      %mul3A_1022 = vector.broadcast %mul3A_1021 : f32 to vector<16xf32>
      %mul3A_1023 = arith.mulf %mul3A_1022, %sub3A_992 : vector<16xf32>
      %add3A_1024 = arith.addf %get3A_282, %mul3A_1023 : vector<16xf32>
      %mul3A_1025 = arith.constant 5.000000e-01 : f32
      %mul3A_1026 = vector.broadcast %mul3A_1025 : f32 to vector<16xf32>
      %mul3A_1027 = arith.mulf %mul3A_1026, %sub3A_993 : vector<16xf32>
      %add3A_1028 = arith.addf %get3A_284, %mul3A_1027 : vector<16xf32>
      %mul3A_1029 = arith.constant 5.000000e-01 : f32
      %mul3A_1030 = vector.broadcast %mul3A_1029 : f32 to vector<16xf32>
      %mul3A_1031 = arith.mulf %mul3A_1030, %max3A_1016 : vector<16xf32>
      %add3A_1032 = arith.addf %gather3A_1009, %mul3A_1031 : vector<16xf32>
      %sub3A_1033 = arith.subf %add3A_1032, %add3A_1024 : vector<16xf32>
      %div3A_1034 = arith.divf %sub3A_1033, %sub3A_992 : vector<16xf32>
      %mul3A_1035 = arith.constant 1.000000e+01 : f32
      %mul3A_1036 = vector.broadcast %mul3A_1035 : f32 to vector<16xf32>
      %mul3A_1037 = arith.mulf %div3A_1034, %mul3A_1036 : vector<16xf32>
      %swap3A_1038 = arith.index_cast %add3A_256 : i32 to index
      %swap3A_1039 = tpu.vector_load %arg22[%swap3A_1038] {strides = array<i32>} : memref<640xf32, #tpu.memory_space<vmem>>, vector<16xf32>,
      tpu.vector_store %arg22[%swap3A_1038], %mul3A_1037 {strides = array<i32>} : memref<640xf32, #tpu.memory_space<vmem>>, vector<16xf32>,
      %mul3A_1040 = arith.constant 5.000000e-01 : f32
      %mul3A_1041 = vector.broadcast %mul3A_1040 : f32 to vector<16xf32>
      %mul3A_1042 = arith.mulf %mul3A_1041, %max3A_1020 : vector<16xf32>
      %add3A_1043 = arith.addf %gather3A_1010, %mul3A_1042 : vector<16xf32>
      %sub3A_1044 = arith.subf %add3A_1043, %add3A_1028 : vector<16xf32>
      %div3A_1045 = arith.divf %sub3A_1044, %sub3A_993 : vector<16xf32>
      %mul3A_1046 = arith.constant 1.000000e+01 : f32
      %mul3A_1047 = vector.broadcast %mul3A_1046 : f32 to vector<16xf32>
      %mul3A_1048 = arith.mulf %div3A_1045, %mul3A_1047 : vector<16xf32>
      %swap3A_1049 = arith.index_cast %add3A_256 : i32 to index
      %swap3A_1050 = tpu.vector_load %arg23[%swap3A_1049] {strides = array<i32>} : memref<640xf32, #tpu.memory_space<vmem>>, vector<16xf32>,
      tpu.vector_store %arg23[%swap3A_1049], %mul3A_1048 {strides = array<i32>} : memref<640xf32, #tpu.memory_space<vmem>>, vector<16xf32>,
      %div3A_1051 = arith.divf %max3A_1016, %sub3A_992 : vector<16xf32>
      %bitcast3A_1052 = vector.bitcast %div3A_1051 : vector<16xf32> to vector<16xi32>
      %shift_right_arithmetic3A_1053 = arith.constant 23 : i32
      %shift_right_arithmetic3A_1054 = vector.broadcast %shift_right_arithmetic3A_1053 : i32 to vector<16xi32>
      %shift_right_arithmetic3A_1055 = arith.shrsi %bitcast3A_1052, %shift_right_arithmetic3A_1054 : vector<16xi32>
      %sub3A_1056 = arith.constant 127 : i32
      %sub3A_1057 = vector.broadcast %sub3A_1056 : i32 to vector<16xi32>
      %sub3A_1058 = arith.subi %shift_right_arithmetic3A_1055, %sub3A_1057 : vector<16xi32>
      %and3A_1059 = arith.constant 8388607 : i32
      %and3A_1060 = vector.broadcast %and3A_1059 : i32 to vector<16xi32>
      %and3A_1061 = arith.andi %bitcast3A_1052, %and3A_1060 : vector<16xi32>
      %or3A_1062 = arith.constant 1065353216 : i32
      %or3A_1063 = vector.broadcast %or3A_1062 : i32 to vector<16xi32>
      %or3A_1064 = arith.ori %and3A_1061, %or3A_1063 : vector<16xi32>
      %bitcast3A_1065 = vector.bitcast %or3A_1064 : vector<16xi32> to vector<16xf32>
      %gt3A_1066 = arith.constant 1.41421354 : f32
      %gt3A_1067 = vector.broadcast %gt3A_1066 : f32 to vector<16xf32>
      %gt3A_1068 = arith.cmpf ogt, %bitcast3A_1065, %gt3A_1067 : vector<16xf32>
      %mul3A_1069 = arith.constant 5.000000e-01 : f32
      %mul3A_1070 = vector.broadcast %mul3A_1069 : f32 to vector<16xf32>
      %mul3A_1071 = arith.mulf %mul3A_1070, %bitcast3A_1065 : vector<16xf32>
      %select_n3A_1072 = arith.select %gt3A_1068, %mul3A_1071, %bitcast3A_1065 : vector<16xi1>, vector<16xf32>
      %add3A_1073 = arith.constant 1 : i32
      %add3A_1074 = vector.broadcast %add3A_1073 : i32 to vector<16xi32>
      %add3A_1075 = arith.addi %sub3A_1058, %add3A_1074 : vector<16xi32>
      %select_n3A_1076 = arith.select %gt3A_1068, %add3A_1075, %sub3A_1058 : vector<16xi1>, vector<16xi32>
      %sub3A_1077 = arith.constant 1.000000e+00 : f32
      %sub3A_1078 = vector.broadcast %sub3A_1077 : f32 to vector<16xf32>
      %sub3A_1079 = arith.subf %select_n3A_1072, %sub3A_1078 : vector<16xf32>
      %add3A_1080 = arith.constant 1.000000e+00 : f32
      %add3A_1081 = vector.broadcast %add3A_1080 : f32 to vector<16xf32>
      %add3A_1082 = arith.addf %select_n3A_1072, %add3A_1081 : vector<16xf32>
      %div3A_1083 = arith.divf %sub3A_1079, %add3A_1082 : vector<16xf32>
      %mul3A_1084 = arith.mulf %div3A_1083, %div3A_1083 : vector<16xf32>
      %mul3A_1085 = arith.constant 0.222222224 : f32
      %mul3A_1086 = vector.broadcast %mul3A_1085 : f32 to vector<16xf32>
      %mul3A_1087 = arith.mulf %mul3A_1084, %mul3A_1086 : vector<16xf32>
      %add3A_1088 = arith.constant 0.285714298 : f32
      %add3A_1089 = vector.broadcast %add3A_1088 : f32 to vector<16xf32>
      %add3A_1090 = arith.addf %add3A_1089, %mul3A_1087 : vector<16xf32>
      %mul3A_1091 = arith.mulf %mul3A_1084, %add3A_1090 : vector<16xf32>
      %add3A_1092 = arith.constant 4.000000e-01 : f32
      %add3A_1093 = vector.broadcast %add3A_1092 : f32 to vector<16xf32>
      %add3A_1094 = arith.addf %add3A_1093, %mul3A_1091 : vector<16xf32>
      %mul3A_1095 = arith.mulf %mul3A_1084, %add3A_1094 : vector<16xf32>
      %add3A_1096 = arith.constant 0.666666686 : f32
      %add3A_1097 = vector.broadcast %add3A_1096 : f32 to vector<16xf32>
      %add3A_1098 = arith.addf %add3A_1097, %mul3A_1095 : vector<16xf32>
      %mul3A_1099 = arith.mulf %mul3A_1084, %add3A_1098 : vector<16xf32>
      %add3A_1100 = arith.constant 2.000000e+00 : f32
      %add3A_1101 = vector.broadcast %add3A_1100 : f32 to vector<16xf32>
      %add3A_1102 = arith.addf %add3A_1101, %mul3A_1099 : vector<16xf32>
      %convert_element_type3A_1103 = arith.sitofp %select_n3A_1076 : vector<16xi32> to vector<16xf32>
      %mul3A_1104 = arith.constant 0.693147182 : f32
      %mul3A_1105 = vector.broadcast %mul3A_1104 : f32 to vector<16xf32>
      %mul3A_1106 = arith.mulf %convert_element_type3A_1103, %mul3A_1105 : vector<16xf32>
      %mul3A_1107 = arith.mulf %div3A_1083, %add3A_1102 : vector<16xf32>
      %add3A_1108 = arith.addf %mul3A_1106, %mul3A_1107 : vector<16xf32>
      %mul3A_1109 = arith.constant 5.000000e+00 : f32
      %mul3A_1110 = vector.broadcast %mul3A_1109 : f32 to vector<16xf32>
      %mul3A_1111 = arith.mulf %add3A_1108, %mul3A_1110 : vector<16xf32>
      %swap3A_1112 = arith.index_cast %add3A_256 : i32 to index
      %swap3A_1113 = tpu.vector_load %arg24[%swap3A_1112] {strides = array<i32>} : memref<640xf32, #tpu.memory_space<vmem>>, vector<16xf32>,
      tpu.vector_store %arg24[%swap3A_1112], %mul3A_1111 {strides = array<i32>} : memref<640xf32, #tpu.memory_space<vmem>>, vector<16xf32>,
      %div3A_1114 = arith.divf %max3A_1020, %sub3A_993 : vector<16xf32>
      %bitcast3A_1115 = vector.bitcast %div3A_1114 : vector<16xf32> to vector<16xi32>
      %shift_right_arithmetic3A_1116 = arith.constant 23 : i32
      %shift_right_arithmetic3A_1117 = vector.broadcast %shift_right_arithmetic3A_1116 : i32 to vector<16xi32>
      %shift_right_arithmetic3A_1118 = arith.shrsi %bitcast3A_1115, %shift_right_arithmetic3A_1117 : vector<16xi32>
      %sub3A_1119 = arith.constant 127 : i32
      %sub3A_1120 = vector.broadcast %sub3A_1119 : i32 to vector<16xi32>
      %sub3A_1121 = arith.subi %shift_right_arithmetic3A_1118, %sub3A_1120 : vector<16xi32>
      %and3A_1122 = arith.constant 8388607 : i32
      %and3A_1123 = vector.broadcast %and3A_1122 : i32 to vector<16xi32>
      %and3A_1124 = arith.andi %bitcast3A_1115, %and3A_1123 : vector<16xi32>
      %or3A_1125 = arith.constant 1065353216 : i32
      %or3A_1126 = vector.broadcast %or3A_1125 : i32 to vector<16xi32>
      %or3A_1127 = arith.ori %and3A_1124, %or3A_1126 : vector<16xi32>
      %bitcast3A_1128 = vector.bitcast %or3A_1127 : vector<16xi32> to vector<16xf32>
      %gt3A_1129 = arith.constant 1.41421354 : f32
      %gt3A_1130 = vector.broadcast %gt3A_1129 : f32 to vector<16xf32>
      %gt3A_1131 = arith.cmpf ogt, %bitcast3A_1128, %gt3A_1130 : vector<16xf32>
      %mul3A_1132 = arith.constant 5.000000e-01 : f32
      %mul3A_1133 = vector.broadcast %mul3A_1132 : f32 to vector<16xf32>
      %mul3A_1134 = arith.mulf %mul3A_1133, %bitcast3A_1128 : vector<16xf32>
      %select_n3A_1135 = arith.select %gt3A_1131, %mul3A_1134, %bitcast3A_1128 : vector<16xi1>, vector<16xf32>
      %add3A_1136 = arith.constant 1 : i32
      %add3A_1137 = vector.broadcast %add3A_1136 : i32 to vector<16xi32>
      %add3A_1138 = arith.addi %sub3A_1121, %add3A_1137 : vector<16xi32>
      %select_n3A_1139 = arith.select %gt3A_1131, %add3A_1138, %sub3A_1121 : vector<16xi1>, vector<16xi32>
      %sub3A_1140 = arith.constant 1.000000e+00 : f32
      %sub3A_1141 = vector.broadcast %sub3A_1140 : f32 to vector<16xf32>
      %sub3A_1142 = arith.subf %select_n3A_1135, %sub3A_1141 : vector<16xf32>
      %add3A_1143 = arith.constant 1.000000e+00 : f32
      %add3A_1144 = vector.broadcast %add3A_1143 : f32 to vector<16xf32>
      %add3A_1145 = arith.addf %select_n3A_1135, %add3A_1144 : vector<16xf32>
      %div3A_1146 = arith.divf %sub3A_1142, %add3A_1145 : vector<16xf32>
      %mul3A_1147 = arith.mulf %div3A_1146, %div3A_1146 : vector<16xf32>
      %mul3A_1148 = arith.constant 0.222222224 : f32
      %mul3A_1149 = vector.broadcast %mul3A_1148 : f32 to vector<16xf32>
      %mul3A_1150 = arith.mulf %mul3A_1147, %mul3A_1149 : vector<16xf32>
      %add3A_1151 = arith.constant 0.285714298 : f32
      %add3A_1152 = vector.broadcast %add3A_1151 : f32 to vector<16xf32>
      %add3A_1153 = arith.addf %add3A_1152, %mul3A_1150 : vector<16xf32>
      %mul3A_1154 = arith.mulf %mul3A_1147, %add3A_1153 : vector<16xf32>
      %add3A_1155 = arith.constant 4.000000e-01 : f32
      %add3A_1156 = vector.broadcast %add3A_1155 : f32 to vector<16xf32>
      %add3A_1157 = arith.addf %add3A_1156, %mul3A_1154 : vector<16xf32>
      %mul3A_1158 = arith.mulf %mul3A_1147, %add3A_1157 : vector<16xf32>
      %add3A_1159 = arith.constant 0.666666686 : f32
      %add3A_1160 = vector.broadcast %add3A_1159 : f32 to vector<16xf32>
      %add3A_1161 = arith.addf %add3A_1160, %mul3A_1158 : vector<16xf32>
      %mul3A_1162 = arith.mulf %mul3A_1147, %add3A_1161 : vector<16xf32>
      %add3A_1163 = arith.constant 2.000000e+00 : f32
      %add3A_1164 = vector.broadcast %add3A_1163 : f32 to vector<16xf32>
      %add3A_1165 = arith.addf %add3A_1164, %mul3A_1162 : vector<16xf32>
      %convert_element_type3A_1166 = arith.sitofp %select_n3A_1139 : vector<16xi32> to vector<16xf32>
      %mul3A_1167 = arith.constant 0.693147182 : f32
      %mul3A_1168 = vector.broadcast %mul3A_1167 : f32 to vector<16xf32>
      %mul3A_1169 = arith.mulf %convert_element_type3A_1166, %mul3A_1168 : vector<16xf32>
      %mul3A_1170 = arith.mulf %div3A_1146, %add3A_1165 : vector<16xf32>
      %add3A_1171 = arith.addf %mul3A_1169, %mul3A_1170 : vector<16xf32>
      %mul3A_1172 = arith.constant 5.000000e+00 : f32
      %mul3A_1173 = vector.broadcast %mul3A_1172 : f32 to vector<16xf32>
      %mul3A_1174 = arith.mulf %add3A_1171, %mul3A_1173 : vector<16xf32>
      %swap3A_1175 = arith.index_cast %add3A_256 : i32 to index
      %swap3A_1176 = tpu.vector_load %arg25[%swap3A_1175] {strides = array<i32>} : memref<640xf32, #tpu.memory_space<vmem>>, vector<16xf32>,
      tpu.vector_store %arg25[%swap3A_1175], %mul3A_1174 {strides = array<i32>} : memref<640xf32, #tpu.memory_space<vmem>>, vector<16xf32>,
      %get3A_1177 = arith.index_cast %add3A_256 : i32 to index
      %get3A_1178 = tpu.vector_load %arg12[%get3A_1177] {strides = array<i32>} : memref<640xf32, #tpu.memory_space<vmem>>, vector<16xf32>,
      %mul3A_1179 = arith.constant 1.000000e-01 : f32
      %mul3A_1180 = vector.broadcast %mul3A_1179 : f32 to vector<16xf32>
      %mul3A_1181 = arith.mulf %get3A_1178, %mul3A_1180 : vector<16xf32>
      %get3A_1182 = arith.index_cast %add3A_256 : i32 to index
      %get3A_1183 = tpu.vector_load %arg13[%get3A_1182] {strides = array<i32>} : memref<640xf32, #tpu.memory_space<vmem>>, vector<16xf32>,
      %mul3A_1184 = arith.constant 1.000000e-01 : f32
      %mul3A_1185 = vector.broadcast %mul3A_1184 : f32 to vector<16xf32>
      %mul3A_1186 = arith.mulf %get3A_1183, %mul3A_1185 : vector<16xf32>
      %get3A_1187 = arith.index_cast %add3A_256 : i32 to index
      %get3A_1188 = tpu.vector_load %arg14[%get3A_1187] {strides = array<i32>} : memref<640xf32, #tpu.memory_space<vmem>>, vector<16xf32>,
      %mul3A_1189 = arith.constant 2.000000e-01 : f32
      %mul3A_1190 = vector.broadcast %mul3A_1189 : f32 to vector<16xf32>
      %mul3A_1191 = arith.mulf %get3A_1188, %mul3A_1190 : vector<16xf32>
      %get3A_1192 = arith.index_cast %add3A_256 : i32 to index
      %get3A_1193 = tpu.vector_load %arg15[%get3A_1192] {strides = array<i32>} : memref<640xf32, #tpu.memory_space<vmem>>, vector<16xf32>,
      %mul3A_1194 = arith.constant 2.000000e-01 : f32
      %mul3A_1195 = vector.broadcast %mul3A_1194 : f32 to vector<16xf32>
      %mul3A_1196 = arith.mulf %get3A_1193, %mul3A_1195 : vector<16xf32>
      %mul3A_1197 = arith.mulf %mul3A_1181, %sub3A_992 : vector<16xf32>
      %add3A_1198 = arith.addf %add3A_1024, %mul3A_1197 : vector<16xf32>
      %mul3A_1199 = arith.mulf %mul3A_1186, %sub3A_993 : vector<16xf32>
      %add3A_1200 = arith.addf %add3A_1028, %mul3A_1199 : vector<16xf32>
      %exp3A_1201 = math.exp %mul3A_1191 : vector<16xf32>
      %mul3A_1202 = arith.mulf %exp3A_1201, %sub3A_992 : vector<16xf32>
      %exp3A_1203 = math.exp %mul3A_1196 : vector<16xf32>
      %mul3A_1204 = arith.mulf %exp3A_1203, %sub3A_993 : vector<16xf32>
      %mul3A_1205 = arith.constant 5.000000e-01 : f32
      %mul3A_1206 = vector.broadcast %mul3A_1205 : f32 to vector<16xf32>
      %mul3A_1207 = arith.mulf %mul3A_1206, %mul3A_1202 : vector<16xf32>
      %sub3A_1208 = arith.subf %add3A_1198, %mul3A_1207 : vector<16xf32>
      %mul3A_1209 = arith.constant 5.000000e-01 : f32
      %mul3A_1210 = vector.broadcast %mul3A_1209 : f32 to vector<16xf32>
      %mul3A_1211 = arith.mulf %mul3A_1210, %mul3A_1204 : vector<16xf32>
      %sub3A_1212 = arith.subf %add3A_1200, %mul3A_1211 : vector<16xf32>
      %swap3A_1213 = arith.index_cast %add3A_256 : i32 to index
      %swap3A_1214 = tpu.vector_load %arg26[%swap3A_1213] {strides = array<i32>} : memref<640xf32, #tpu.memory_space<vmem>>, vector<16xf32>,
      tpu.vector_store %arg26[%swap3A_1213], %sub3A_1208 {strides = array<i32>} : memref<640xf32, #tpu.memory_space<vmem>>, vector<16xf32>,
      %swap3A_1215 = arith.index_cast %add3A_256 : i32 to index
      %swap3A_1216 = tpu.vector_load %arg27[%swap3A_1215] {strides = array<i32>} : memref<640xf32, #tpu.memory_space<vmem>>, vector<16xf32>,
      tpu.vector_store %arg27[%swap3A_1215], %sub3A_1212 {strides = array<i32>} : memref<640xf32, #tpu.memory_space<vmem>>, vector<16xf32>,
      %add3A_1217 = arith.addf %sub3A_1208, %mul3A_1202 : vector<16xf32>
      %swap3A_1218 = arith.index_cast %add3A_256 : i32 to index
      %swap3A_1219 = tpu.vector_load %arg28[%swap3A_1218] {strides = array<i32>} : memref<640xf32, #tpu.memory_space<vmem>>, vector<16xf32>,
      tpu.vector_store %arg28[%swap3A_1218], %add3A_1217 {strides = array<i32>} : memref<640xf32, #tpu.memory_space<vmem>>, vector<16xf32>,
      %add3A_1220 = arith.addf %sub3A_1212, %mul3A_1204 : vector<16xf32>
      %swap3A_1221 = arith.index_cast %add3A_256 : i32 to index
      %swap3A_1222 = tpu.vector_load %arg29[%swap3A_1221] {strides = array<i32>} : memref<640xf32, #tpu.memory_space<vmem>>, vector<16xf32>,
      tpu.vector_store %arg29[%swap3A_1221], %add3A_1220 {strides = array<i32>} : memref<640xf32, #tpu.memory_space<vmem>>, vector<16xf32>,
    }
    %scan3A_187 = arith.constant 10 : i32
    %dma_start3A_188 = tpu.memref_slice %arg5[%min3A_3] : memref<20000xi32, #tpu.memory_space<hbm>> -> memref<640xi32, #tpu.memory_space<hbm>>
    %dma_start3A_189 = tpu.memref_slice %arg5[%min3A_3] : memref<20000xi32, #tpu.memory_space<hbm>> -> memref<640xi32, #tpu.memory_space<hbm>>
    tpu.enqueue_dma source(%arg21 : memref<640xi32, #tpu.memory_space<vmem>>) target(%dma_start3A_189 : memref<640xi32, #tpu.memory_space<hbm>>) target_semaphore(%arg31 : memref<!tpu.dma_semaphore, #tpu.memory_space<semaphore_mem>>)
    %add3A_190 = arith.constant 0 : i32
    %add3A_191 = arith.addi %add3A_190, %min3A_3 : i32
    %dma_start3A_192 = tpu.memref_slice %arg6[%add3A_191] : memref<80000xf32, #tpu.memory_space<hbm>> -> memref<640xf32, #tpu.memory_space<hbm>>
    %dma_start3A_193 = tpu.memref_slice %arg6[%add3A_191] : memref<80000xf32, #tpu.memory_space<hbm>> -> memref<640xf32, #tpu.memory_space<hbm>>
    tpu.enqueue_dma source(%arg22 : memref<640xf32, #tpu.memory_space<vmem>>) target(%dma_start3A_193 : memref<640xf32, #tpu.memory_space<hbm>>) target_semaphore(%arg31 : memref<!tpu.dma_semaphore, #tpu.memory_space<semaphore_mem>>)
    %add3A_194 = arith.constant 20000 : i32
    %add3A_195 = arith.addi %add3A_194, %min3A_3 : i32
    %dma_start3A_196 = tpu.memref_slice %arg6[%add3A_195] : memref<80000xf32, #tpu.memory_space<hbm>> -> memref<640xf32, #tpu.memory_space<hbm>>
    %dma_start3A_197 = tpu.memref_slice %arg6[%add3A_195] : memref<80000xf32, #tpu.memory_space<hbm>> -> memref<640xf32, #tpu.memory_space<hbm>>
    tpu.enqueue_dma source(%arg23 : memref<640xf32, #tpu.memory_space<vmem>>) target(%dma_start3A_197 : memref<640xf32, #tpu.memory_space<hbm>>) target_semaphore(%arg31 : memref<!tpu.dma_semaphore, #tpu.memory_space<semaphore_mem>>)
    %add3A_198 = arith.constant 40000 : i32
    %add3A_199 = arith.addi %add3A_198, %min3A_3 : i32
    %dma_start3A_200 = tpu.memref_slice %arg6[%add3A_199] : memref<80000xf32, #tpu.memory_space<hbm>> -> memref<640xf32, #tpu.memory_space<hbm>>
    %dma_start3A_201 = tpu.memref_slice %arg6[%add3A_199] : memref<80000xf32, #tpu.memory_space<hbm>> -> memref<640xf32, #tpu.memory_space<hbm>>
    tpu.enqueue_dma source(%arg24 : memref<640xf32, #tpu.memory_space<vmem>>) target(%dma_start3A_201 : memref<640xf32, #tpu.memory_space<hbm>>) target_semaphore(%arg31 : memref<!tpu.dma_semaphore, #tpu.memory_space<semaphore_mem>>)
    %add3A_202 = arith.constant 60000 : i32
    %add3A_203 = arith.addi %add3A_202, %min3A_3 : i32
    %dma_start3A_204 = tpu.memref_slice %arg6[%add3A_203] : memref<80000xf32, #tpu.memory_space<hbm>> -> memref<640xf32, #tpu.memory_space<hbm>>
    %dma_start3A_205 = tpu.memref_slice %arg6[%add3A_203] : memref<80000xf32, #tpu.memory_space<hbm>> -> memref<640xf32, #tpu.memory_space<hbm>>
    tpu.enqueue_dma source(%arg25 : memref<640xf32, #tpu.memory_space<vmem>>) target(%dma_start3A_205 : memref<640xf32, #tpu.memory_space<hbm>>) target_semaphore(%arg31 : memref<!tpu.dma_semaphore, #tpu.memory_space<semaphore_mem>>)
    %add3A_206 = arith.constant 0 : i32
    %add3A_207 = arith.addi %add3A_206, %min3A_3 : i32
    %dma_start3A_208 = tpu.memref_slice %arg7[%add3A_207] : memref<80000xf32, #tpu.memory_space<hbm>> -> memref<640xf32, #tpu.memory_space<hbm>>
    %dma_start3A_209 = tpu.memref_slice %arg7[%add3A_207] : memref<80000xf32, #tpu.memory_space<hbm>> -> memref<640xf32, #tpu.memory_space<hbm>>
    tpu.enqueue_dma source(%arg26 : memref<640xf32, #tpu.memory_space<vmem>>) target(%dma_start3A_209 : memref<640xf32, #tpu.memory_space<hbm>>) target_semaphore(%arg31 : memref<!tpu.dma_semaphore, #tpu.memory_space<semaphore_mem>>)
    %add3A_210 = arith.constant 20000 : i32
    %add3A_211 = arith.addi %add3A_210, %min3A_3 : i32
    %dma_start3A_212 = tpu.memref_slice %arg7[%add3A_211] : memref<80000xf32, #tpu.memory_space<hbm>> -> memref<640xf32, #tpu.memory_space<hbm>>
    %dma_start3A_213 = tpu.memref_slice %arg7[%add3A_211] : memref<80000xf32, #tpu.memory_space<hbm>> -> memref<640xf32, #tpu.memory_space<hbm>>
    tpu.enqueue_dma source(%arg27 : memref<640xf32, #tpu.memory_space<vmem>>) target(%dma_start3A_213 : memref<640xf32, #tpu.memory_space<hbm>>) target_semaphore(%arg31 : memref<!tpu.dma_semaphore, #tpu.memory_space<semaphore_mem>>)
    %add3A_214 = arith.constant 40000 : i32
    %add3A_215 = arith.addi %add3A_214, %min3A_3 : i32
    %dma_start3A_216 = tpu.memref_slice %arg7[%add3A_215] : memref<80000xf32, #tpu.memory_space<hbm>> -> memref<640xf32, #tpu.memory_space<hbm>>
    %dma_start3A_217 = tpu.memref_slice %arg7[%add3A_215] : memref<80000xf32, #tpu.memory_space<hbm>> -> memref<640xf32, #tpu.memory_space<hbm>>
    tpu.enqueue_dma source(%arg28 : memref<640xf32, #tpu.memory_space<vmem>>) target(%dma_start3A_217 : memref<640xf32, #tpu.memory_space<hbm>>) target_semaphore(%arg31 : memref<!tpu.dma_semaphore, #tpu.memory_space<semaphore_mem>>)
    %add3A_218 = arith.constant 60000 : i32
    %add3A_219 = arith.addi %add3A_218, %min3A_3 : i32
    %dma_start3A_220 = tpu.memref_slice %arg7[%add3A_219] : memref<80000xf32, #tpu.memory_space<hbm>> -> memref<640xf32, #tpu.memory_space<hbm>>
    %dma_start3A_221 = tpu.memref_slice %arg7[%add3A_219] : memref<80000xf32, #tpu.memory_space<hbm>> -> memref<640xf32, #tpu.memory_space<hbm>>
    tpu.enqueue_dma source(%arg29 : memref<640xf32, #tpu.memory_space<vmem>>) target(%dma_start3A_221 : memref<640xf32, #tpu.memory_space<hbm>>) target_semaphore(%arg31 : memref<!tpu.dma_semaphore, #tpu.memory_space<semaphore_mem>>)
    %dma_wait3A_222 = tpu.memref_slice %arg5[%min3A_3] : memref<20000xi32, #tpu.memory_space<hbm>> -> memref<640xi32, #tpu.memory_space<hbm>>
    %dma_wait3A_223 = tpu.memref_slice %arg5[%min3A_3] : memref<20000xi32, #tpu.memory_space<hbm>> -> memref<640xi32, #tpu.memory_space<hbm>>
    tpu.wait_dma2 semaphore(%arg31 : memref<!tpu.dma_semaphore, #tpu.memory_space<semaphore_mem>>) src(%arg21 : memref<640xi32, #tpu.memory_space<vmem>>) dst(%dma_wait3A_223 : memref<640xi32, #tpu.memory_space<hbm>>)
    %dma_wait3A_224 = tpu.memref_slice %arg6[%add3A_191] : memref<80000xf32, #tpu.memory_space<hbm>> -> memref<640xf32, #tpu.memory_space<hbm>>
    %dma_wait3A_225 = tpu.memref_slice %arg6[%add3A_191] : memref<80000xf32, #tpu.memory_space<hbm>> -> memref<640xf32, #tpu.memory_space<hbm>>
    tpu.wait_dma2 semaphore(%arg31 : memref<!tpu.dma_semaphore, #tpu.memory_space<semaphore_mem>>) src(%arg22 : memref<640xf32, #tpu.memory_space<vmem>>) dst(%dma_wait3A_225 : memref<640xf32, #tpu.memory_space<hbm>>)
    %dma_wait3A_226 = tpu.memref_slice %arg6[%add3A_195] : memref<80000xf32, #tpu.memory_space<hbm>> -> memref<640xf32, #tpu.memory_space<hbm>>
    %dma_wait3A_227 = tpu.memref_slice %arg6[%add3A_195] : memref<80000xf32, #tpu.memory_space<hbm>> -> memref<640xf32, #tpu.memory_space<hbm>>
    tpu.wait_dma2 semaphore(%arg31 : memref<!tpu.dma_semaphore, #tpu.memory_space<semaphore_mem>>) src(%arg23 : memref<640xf32, #tpu.memory_space<vmem>>) dst(%dma_wait3A_227 : memref<640xf32, #tpu.memory_space<hbm>>)
    %dma_wait3A_228 = tpu.memref_slice %arg6[%add3A_199] : memref<80000xf32, #tpu.memory_space<hbm>> -> memref<640xf32, #tpu.memory_space<hbm>>
    %dma_wait3A_229 = tpu.memref_slice %arg6[%add3A_199] : memref<80000xf32, #tpu.memory_space<hbm>> -> memref<640xf32, #tpu.memory_space<hbm>>
    tpu.wait_dma2 semaphore(%arg31 : memref<!tpu.dma_semaphore, #tpu.memory_space<semaphore_mem>>) src(%arg24 : memref<640xf32, #tpu.memory_space<vmem>>) dst(%dma_wait3A_229 : memref<640xf32, #tpu.memory_space<hbm>>)
    %dma_wait3A_230 = tpu.memref_slice %arg6[%add3A_203] : memref<80000xf32, #tpu.memory_space<hbm>> -> memref<640xf32, #tpu.memory_space<hbm>>
    %dma_wait3A_231 = tpu.memref_slice %arg6[%add3A_203] : memref<80000xf32, #tpu.memory_space<hbm>> -> memref<640xf32, #tpu.memory_space<hbm>>
    tpu.wait_dma2 semaphore(%arg31 : memref<!tpu.dma_semaphore, #tpu.memory_space<semaphore_mem>>) src(%arg25 : memref<640xf32, #tpu.memory_space<vmem>>) dst(%dma_wait3A_231 : memref<640xf32, #tpu.memory_space<hbm>>)
    %dma_wait3A_232 = tpu.memref_slice %arg7[%add3A_207] : memref<80000xf32, #tpu.memory_space<hbm>> -> memref<640xf32, #tpu.memory_space<hbm>>
    %dma_wait3A_233 = tpu.memref_slice %arg7[%add3A_207] : memref<80000xf32, #tpu.memory_space<hbm>> -> memref<640xf32, #tpu.memory_space<hbm>>
    tpu.wait_dma2 semaphore(%arg31 : memref<!tpu.dma_semaphore, #tpu.memory_space<semaphore_mem>>) src(%arg26 : memref<640xf32, #tpu.memory_space<vmem>>) dst(%dma_wait3A_233 : memref<640xf32, #tpu.memory_space<hbm>>)
    %dma_wait3A_234 = tpu.memref_slice %arg7[%add3A_211] : memref<80000xf32, #tpu.memory_space<hbm>> -> memref<640xf32, #tpu.memory_space<hbm>>
    %dma_wait3A_235 = tpu.memref_slice %arg7[%add3A_211] : memref<80000xf32, #tpu.memory_space<hbm>> -> memref<640xf32, #tpu.memory_space<hbm>>
    tpu.wait_dma2 semaphore(%arg31 : memref<!tpu.dma_semaphore, #tpu.memory_space<semaphore_mem>>) src(%arg27 : memref<640xf32, #tpu.memory_space<vmem>>) dst(%dma_wait3A_235 : memref<640xf32, #tpu.memory_space<hbm>>)
    %dma_wait3A_236 = tpu.memref_slice %arg7[%add3A_215] : memref<80000xf32, #tpu.memory_space<hbm>> -> memref<640xf32, #tpu.memory_space<hbm>>
    %dma_wait3A_237 = tpu.memref_slice %arg7[%add3A_215] : memref<80000xf32, #tpu.memory_space<hbm>> -> memref<640xf32, #tpu.memory_space<hbm>>
    tpu.wait_dma2 semaphore(%arg31 : memref<!tpu.dma_semaphore, #tpu.memory_space<semaphore_mem>>) src(%arg28 : memref<640xf32, #tpu.memory_space<vmem>>) dst(%dma_wait3A_237 : memref<640xf32, #tpu.memory_space<hbm>>)
    %dma_wait3A_238 = tpu.memref_slice %arg7[%add3A_219] : memref<80000xf32, #tpu.memory_space<hbm>> -> memref<640xf32, #tpu.memory_space<hbm>>
    %dma_wait3A_239 = tpu.memref_slice %arg7[%add3A_219] : memref<80000xf32, #tpu.memory_space<hbm>> -> memref<640xf32, #tpu.memory_space<hbm>>
    tpu.wait_dma2 semaphore(%arg31 : memref<!tpu.dma_semaphore, #tpu.memory_space<semaphore_mem>>) src(%arg29 : memref<640xf32, #tpu.memory_space<vmem>>) dst(%dma_wait3A_239 : memref<640xf32, #tpu.memory_space<hbm>>)
    return
  }
}

</mosaic_0001>

<sc_bundles>
// kernel: kernel.3.cloned.1.call-start
scs
__scs_entry_jumppad:
0x0: {  	(pc) =	sbr.rel $0x88, $3  }
0x1: {  	(tag) =	ssettag $0x0;
	lr =	simm.s32 $0x1  }
0x2: {  	[smem:$0x3F9E] =	sst lr;
	_ =	strace $0xD0000000  }
0x3: {  	_ = 	snop  }
0x4: {  	_ = 	snop  }
0x5: {  	_ = 	snop  }
0x6: {  	_ = 	snop  }
0x7: {  	_ = 	snop  }
__scs_overlays_trampoline_lowered:
0x8: {  	[smem:$0x3FAD] =	sst s0  }
0x9: {  	[smem:$0x3FAE] =	sst s1  }
0xa: {  	[smem:$0x3FAF] =	sst s2  }
0xb: {  	[smem:$0x3FB0] =	sst s3  }
0xc: {  	[smem:$0x3FB1] =	sst s4  }
0xd: {  	[smem:$0x3FB2] =	sst s5  }
0xe: {  	[smem:$0x3FB3] =	sst s6  }
0xf: {  	[smem:$0x3FB4] =	sst s7  }
0x10: {  	[smem:$0x3FB5] =	sst s8  }
0x11: {  	[smem:$0x3FB6] =	sst s9;
	s0 =	simm.s32 @!p0 $0x0  }
0x12: {  	s1 =	sld [smem:$0x3F9C];
	s0 =	simm.s32 @p0 $0x1  }
0x13: {  	[smem:$0x3FB7] =	sst s0;
	s0 =	simm.s32 @!p1 $0x0  }
0x14: {  	s2 =	sld [smem:$0x3F9B];
	s0 =	simm.s32 @p1 $0x1  }
0x15: {  	[smem:$0x3FB8] =	sst s0;
	s0 =	simm.s32 @!p2 $0x0  }
0x16: {  	s3 =	sld [smem:$0x3FDB];
	s0 =	simm.s32 @p2 $0x1  }
0x17: {  	s4 =	simm.s32 $0x1BF5;
	[smem:$0x3FBA] =	sst s0  }
0x18: {  	s0 =	sld [smem:$0x3F9D];
	_ =	swait.ge [sflag:s4], $0x0  }
0x19: {  	s7 =	sld [smem:$0x3F9E]  }
0x1a: {  	s8 =	sadd.s32 $0xFFFFE003, lr  }
0x1b: {  	s9 =	sadd.s32 $0xFFFFFEF7, lr;
	s5 =	simm.s32 $0xFFFFFFFF;
	p2 =	slt.u32 s8, $0xFFFFF086  }
0x1c: {  	p1 =	slt.u32 s9, $0xF7A;
	s5 =	simm.s32 @!p2 $0x0  }
0x1d: {  	s5 =	simm.s32 @p1 $0x1;
	p0 =	seq.s32 s7, s2  }
0x1e: {  	s7 =	smul.u32 @!p0 $0xF7A, s2;
	p2 =	seq.s32 @!p0 s5, $0x0  }
0x1f: {  	s9 =	smul.u32 $0xF7A, s1;
	s8 =	simm.s32 @!p0 $0x1BF5;
	p2 =	por !p2, p0  }
0x20: {  	[sflag:s8] =	ssyncset.s32 @!p0 $0xFFFFF086;
	s6 =	sadd.s32 @!p0 s3, s7;
	s7 =	simm.s32 @!p0 $0x108  }
0x21: {  	s3 =	sadd.s32 s3, s9;
	s6 =	sadd.s32 @!p0 $0x88, s6;
	s7 =	simm.s32 @p2 $0x1082  }
0x22: {  	[simem:s7], [sflag:s8] =	dma.local @!p0 [hbm:s6], $0xF7A  }
0x23: {  	s9 =	sor.u32 $0xD0000000, s2;
	s6 =	simm.s32 $0x108;
	_ =	swait.ge @!p0 [sflag:s8], $0x0  }
0x24: {  	s3 =	sadd.s32 $0x88, s3;
	s6 =	simm.s32 @!p1 $0x1082;
	[sflag:s4] =	ssyncset.s32 $0xFFFFF086  }
0x25: {  	[simem:s6], [sflag:s4] =	dma.local [hbm:s3], $0xF7A  }
0x26: {  	[smem:$0x3F9E] =	sst s1;
	(tag) =	ssettag s2;
	_ =	strace s9  }
0x27: {  	s1 =	sld [smem:$0x3FAE]  }
0x28: {  	s2 =	sld [smem:$0x3FAF]  }
0x29: {  	s4 =	sld [smem:$0x3FB1]  }
0x2a: {  	p0 =	seq.s32 s5, $0x0;
	s5 =	sld [smem:$0x3FB2]  }
0x2b: {  	s6 =	sld [smem:$0x3FB3]  }
0x2c: {  	s7 =	sld [smem:$0x3FB4]  }
0x2d: {  	s3 =	simm.s32 $0x108;
	s8 =	sld [smem:$0x3FB5]  }
0x2e: {  	s3 =	simm.s32 @!p0 $0x1082;
	s9 =	sld [smem:$0x3FB6]  }
0x2f: {  	lr =	sadd.s32 s0, s3;
	s0 =	sld [smem:$0x3FAD]  }
0x30: {  	s3 =	sld [smem:$0x3FB0]  }
0x31: {  	[smem:$0x3FB9] =	sst s10  }
0x32: {  	s10 =	sld [smem:$0x3FB7];
	_ =	sdelay $0x3  }
0x33: {  	p0 =	seq.s32 s10, $0x1;
	s10 =	sld [smem:$0x3FB9];
	_ =	sdelay $0x3  }
0x34: {  	[smem:$0x3FB9] =	sst s10  }
0x35: {  	s10 =	sld [smem:$0x3FB8];
	_ =	sdelay $0x3  }
0x36: {  	p1 =	seq.s32 s10, $0x1;
	s10 =	sld [smem:$0x3FB9];
	_ =	sdelay $0x3  }
0x37: {  	[smem:$0x3FB9] =	sst s10  }
0x38: {  	s10 =	sld [smem:$0x3FBA]  }
0x39: {  	_ = 	snop;
	(pc) =	sbr.ind lr, $3  }
0x3a: {  	_ = 	snop  }
0x3b: {  	_ = 	snop  }
0x3c: {  	p2 =	seq.s32 s10, $0x1;
	s10 =	sld [smem:$0x3FB9]  }
0x3d: {  	_ =	shalt  }
0x3e: {  	_ =	shalt  }
0x3f: {  	_ =	shalt  }
0x40: {  	_ =	shalt  }
0x41: {  	_ =	shalt  }
0x42: {  	_ =	shalt  }
0x43: {  	_ =	shalt  }
0x44: {  	_ =	shalt  }
0x45: {  	_ =	shalt  }
0x46: {  	_ =	shalt  }
0x47: {  	_ =	shalt  }
0x48: {  	_ =	shalt  }
0x49: {  	_ =	shalt  }
0x4a: {  	_ =	shalt  }
0x4b: {  	_ =	shalt  }
0x4c: {  	_ =	shalt  }
0x4d: {  	_ =	shalt  }
0x4e: {  	_ =	shalt  }
0x4f: {  	_ =	shalt  }
0x50: {  	_ =	shalt  }
0x51: {  	_ =	shalt  }
0x52: {  	_ =	shalt  }
0x53: {  	_ =	shalt  }
0x54: {  	_ =	shalt  }
0x55: {  	_ =	shalt  }
0x56: {  	_ =	shalt  }
0x57: {  	_ =	shalt  }
0x58: {  	_ =	shalt  }
0x59: {  	_ =	shalt  }
0x5a: {  	_ =	shalt  }
0x5b: {  	_ =	shalt  }
0x5c: {  	_ =	shalt  }
0x5d: {  	_ =	shalt  }
0x5e: {  	_ =	shalt  }
0x5f: {  	_ =	shalt  }
0x60: {  	_ =	shalt  }
0x61: {  	_ =	shalt  }
0x62: {  	_ =	shalt  }
0x63: {  	_ =	shalt  }
0x64: {  	_ =	shalt  }
0x65: {  	_ =	shalt  }
0x66: {  	_ =	shalt  }
0x67: {  	_ =	shalt  }
0x68: {  	_ =	shalt  }
0x69: {  	_ =	shalt  }
0x6a: {  	_ =	shalt  }
0x6b: {  	_ =	shalt  }
0x6c: {  	_ =	shalt  }
0x6d: {  	_ =	shalt  }
0x6e: {  	_ =	shalt  }
0x6f: {  	_ =	shalt  }
0x70: {  	_ =	shalt  }
0x71: {  	_ =	shalt  }
0x72: {  	_ =	shalt  }
0x73: {  	_ =	shalt  }
0x74: {  	_ =	shalt  }
0x75: {  	_ =	shalt  }
0x76: {  	_ =	shalt  }
0x77: {  	_ =	shalt  }
0x78: {  	_ =	shalt  }
0x79: {  	_ =	shalt  }
0x7a: {  	_ =	shalt  }
0x7b: {  	_ =	shalt  }
0x7c: {  	_ =	shalt  }
0x7d: {  	_ =	shalt  }
0x7e: {  	_ =	shalt  }
0x7f: {  	_ =	shalt  }
0x80: {  	_ =	shalt  }
0x81: {  	_ =	shalt  }
0x82: {  	_ =	shalt  }
0x83: {  	_ =	shalt  }
0x84: {  	_ =	shalt  }
0x85: {  	_ =	shalt  }
0x86: {  	_ =	shalt  }
0x87: {  	_ =	shalt  }
.Lfunc_end0:
.L_simem_size_0:
called_computation_lowered:
.L_overlay_start_0:
0x88: {  	s2 =	sld [smem:$0x3FD9]  }
0x89: {  	s3 =	sld [smem:$0x3FFE];
	_ =	sdelay $0x1  }
0x8a: {  	s1 =	srdreg.scid  }
0x8b: {  	s0 =	sand.u32 $0x1, s1  }
0x8c: {  	s14 =	sshll.u32 s0, $0xA;
	s2 =	sadd.s32 s3, s2  }
0x8d: {  	s2 =	sadd.s32 s2, s14  }
0x8e: {  	[smem:$0x3FC5] =	sst s2  }
0x8f: {  	_ = 	snop  }
0x90: {  	s2 =	sld [smem:$0x3FD0];
	_ =	sdelay $0x2  }
0x91: {  	s4 =	simm.s32 $0xA;
	s5 =	simm.s32 $0x10;
	s15 =	sld [smem:$0x3FC8]  }
0x92: {  	[smem:s5], [sflag:s4] =	dma.local [hbm:s2], $0x1  }
0x93: {  	_ =	swait.eq [sflag:s4], $0x1  }
0x94: {  	[sflag:s4] =	ssyncset.done $0x0  }
0x95: {  	[sflag:s4] =	ssyncadd.s32 $0xFFFFFFFF  }
0x96: {  	s16 =	sld [smem:$0x10];
	(tm) =	ssettm $0x1  }
0x97: {  	s17 =	sld [smem:$0x3FFB];
	_ =	sdelay $0x3  }
0x98: {  	_ =	strace s17  }
0x99: {  	s4 =	sld [smem:$0x3FFC];
	_ =	sdelay $0x3  }
0x9a: {  	_ =	strace s4  }
0x9b: {  	s4 =	sld [smem:$0x3FFD];
	_ =	sdelay $0x3  }
0x9c: {  	_ =	strace s4  }
0x9d: {  	_ =	strace $0x8FFFFFFF  }
0x9e: {  	s18 =	sld [smem:$0x3FDB];
	_ =	sdelay $0x1  }
0x9f: {  	s19 =	simm.s32 $_scs_section_size  }
0xa0: {  	s6 =	simm.s32 $_size__tile_overlayer_lowered;
	s7 =	simm.s32 $_tile_overlayer_lowered  }
0xa1: {  	s22 =	simm.s32 $0x1BFF;
	s21 =	sshll.u32 s7, $0x1;
	s4 =	sadd.s32 s19, s18  }
0xa2: {  	s8 =	simm.s32 $0x0;
	s20 =	sshll.u32 s6, $0x1;
	s6 =	sadd.s32 s21, s4  }
0xa3: {  	[timem:s8], [sflag:s22] =	dma.local [hbm:s6], s20  }
0xa4: {  	_ =	swait.ge [sflag:s22], s20  }
0xa5: {  	s5 =	ssub.s32 $0x0, s20;
	[sflag:s22] =	ssyncset.done $0x0  }
0xa6: {  	[sflag:s22] =	ssyncadd.s32 s5;
	_ =	sdelay $0x1  }
0xa7: {  	s23 =	simm.s32 $0x1B8B  }
0xa8: {  	_ =	swait.ge [sflag:s23], $0x1  }
0xa9: {  	[sflag:s23] =	ssyncset.done $0x0  }
0xaa: {  	s25 =	simm.s32 $0x1B8E;
	s24 =	sld [smem:$0x3FFE];
	[sflag:s23] =	ssyncadd.s32 $0xFFFFFFFF  }
0xab: {  	s26 =	simm.s32 $execute0_lowered;
	[smem:$0x3FD2] =	sst s25  }
0xac: {  	s6 =	sshll.u32 s26, $0x1;
	_ =	strace $0x80000046;
	[dreg:$0x1] =	wrdreg $0xFFFFFFFF  }
0xad: {  	s28 =	simm.s32 $_size_execute0_lowered;
	s4 =	sadd.s32 s4, s6;
	[dreg:$0x0] =	wrdreg $0x0  }
0xae: {  	s6 =	sshll.u32 s28, $0x1;
	[dreg:$0x2] =	wrdreg s4  }
0xaf: {  	[dreg:$0x3] =	wrdreg s6  }
0xb0: {  	[dreg:$0x4] =	wrdreg $0xC0  }
0xb1: {  	_ =	task [dreg:s8], $0x5FFFF  }
0xb2: {  	[dreg:$0x1] =	wrdreg $0xFFFFFFFF  }
0xb3: {  	[dreg:$0x0] =	wrdreg $0x60  }
0xb4: {  	[dreg:$0x2] =	wrdreg s24  }
0xb5: {  	[dreg:$0x3] =	wrdreg s15  }
0xb6: {  	[dreg:$0x4] =	wrdreg s16  }
0xb7: {  	[dreg:$0x5] =	wrdreg $0x9  }
0xb8: {  	_ =	task.clear_ibuf [dreg:s8], $0x6FFFF;
	_ =	strace $0x90000046  }
0xb9: {  	s29 =	simm.s32 $0x9;
	_ =	strace $0x80000048  }
0xba: {  	_ =	swait.ge [sflag:s29], $0x1  }
0xbb: {  	[sflag:s29] =	ssyncadd.s32 $0xFFFFFFFF  }
0xbc: {  	_ =	strace $0x90000048  }
0xbd: {  	_ =	sfence  }
0xbe: {  	s30 =	sld [smem:$0x0];
	_ =	sdelay $0x2  }
0xbf: {  	s31 =	sshll.u32 s1, $0xD;
	s1 =	sshrl.u32 s1, $0x2  }
0xc0: {  	s3 =	sand.u32 $0x4000, s31;
	s1 =	sadd.s32 s1, s30  }
0xc1: {  	s0 =	sor.u32 s3, s0;
	s1 =	sshll.u32 s1, $0x11  }
0xc2: {  	s0 =	sor.u32 s1, s0  }
0xc3: {  	s0 =	sadd.s32 $0x8F2B, s0  }
0xc4: {  	[sflag:s0] =	ssyncadd.remote.s32 $0x1  }
0xc5: {  	_ =	sfence.sel $0xFFFF  }
0xc6: {  	[dreg:$0x0] =	wrdreg $0xFFFFFFFF;
	(pc) =	sbr.abs _section_cstart, $3  }
0xc7: {  	[dreg:$0x1] =	wrdreg $0xFFFFFFFF  }
0xc8: {  	_ =	task.clear_ibuf [dreg:s8], $0x2FFFF;
	_ =	strace $0x9FFFFFFF  }
0xc9: {  	(tm) =	ssettm $0x7FFFFFFF  }
tec
execute0_lowered:
.L_overlay_start_1:
0x0: {  	(tag) =	ssettag $0x1  }
0x1: {  	s0 =	rddreg [dreg:$0x0]  }
0x2: {  	s10 =	rddreg [dreg:$0x1]  }
0x3: {  	s1 =	rddreg [dreg:$0x2];
	s2 =	srdreg.scid  }
0x4: {  	s4 =	stileid.u32;
	s3 =	simm.s32 $0x0;
	s29 =	simm.s32 $0x1400  }
0x5: {  	s30 =	simm.s32 $0x1480;
	s31 =	simm.s32 $0x1500;
	s28 =	simm.s32 $0x2  }
0x6: {  	s2 =	sand.u32 $0x1, s2;
	s4 =	sshll.u32 s4, $0x1;
	[smem:$0x7FF] =	sst s3  }
0x7: {  	s5 =	sadd.s32 $0xC00, s0;
	s6 =	sadd.s32 $0x3400, s0;
	s4 =	sor.u32 s2, s4  }
0x8: {  	s7 =	sadd.s32 $0x5C00, s0;
	s0 =	sadd.s32 $0x8400, s0;
	s4 =	smul.u32 $0x280, s4  }
0x9: {  	s26 =	sadd.s32 $0x10, s10;
	_ =	strace $0x80000047;
	s2 =	ssub.s32 $0x2, s2  }
0xa: {  	[dreg:$0x8] =	wrdreg s26;
	s8 =	sshrl.u32 s2, $0x1;
	s4 =	smin.u32 s4, $0x4BA0  }
0xb: {  	s26 =	simm.s32 $0x0;
	s2 =	ssub.s32 s2, s8;
	s4 =	sshrl.u32 s4, $0x3  }
0xc: {  	s23 =	sadd.s32 s5, s4;
	s24 =	sadd.s32 $0x9C4, s4;
	s22 =	sadd.s32 $0x1388, s4  }
0xd: {  	s11 =	sadd.s32 s6, s4;
	s15 =	sadd.s32 s1, s4;
	s16 =	sadd.s32 s7, s4  }
0xe: {  	s20 =	sadd.s32 s0, s4;
	s1 =	simm.s32 $0x1;
	[dreg:$0x4] =	wrdreg s23  }
0xf: {  	s9 =	sadd.s32 s5, s24;
	s25 =	sadd.s32 s5, s22;
	s23 =	sadd.s32 $0x1D4C, s4  }
0x10: {  	s12 =	sadd.s32 s6, s24;
	s13 =	sadd.s32 s6, s22;
	s17 =	sadd.s32 s7, s24  }
0x11: {  	s18 =	sadd.s32 s7, s22;
	s21 =	sadd.s32 s0, s24;
	[dreg:$0x5] =	wrdreg s9  }
0x12: {  	s22 =	sadd.s32 s0, s22;
	s24 =	smax.u32 s2, $0x1;
	[dreg:$0x6] =	wrdreg s25  }
0x13: {  	s5 =	sadd.s32 s5, s23;
	s9 =	sadd.s32 $0x20, s10;
	s10 =	sadd.s32 $0x30, s10  }
0x14: {  	s14 =	sadd.s32 s6, s23;
	s19 =	sadd.s32 s7, s23;
	s23 =	sadd.s32 s0, s23  }
0x15: {  	s0 =	simm.s32 $0x1580;
	s25 =	simm.s32 $0x1600;
	[dreg:$0x7] =	wrdreg s5  }
.LBB2_1:
0x16: {  	s2 =	rddreg [dreg:$0x4]  }
0x17: {  	[tilespmem:s3], [sflag:$0x1] =	stream.linear.gather [hbm4b:s2+s3], $0x280, $0x38;
	[tilespmem:$0x2D00] =	vst v63  }
0x18: {  	s8 =	rddreg [dreg:$0x5];
	s4 =	simm.s32 $0x280  }
0x19: {  	[tilespmem:s4], [sflag:$0x1] =	stream.linear.gather [hbm4b:s8+s3], $0x280, $0x38;
	[tilespmem:$0x2D00] =	vst v63  }
0x1a: {  	s5 =	simm.s32 $0x500;
	s4 =	rddreg [dreg:$0x6]  }
0x1b: {  	[tilespmem:s5], [sflag:$0x1] =	stream.linear.gather [hbm4b:s4+s3], $0x280, $0x38;
	[tilespmem:$0x2D00] =	vst v63  }
0x1c: {  	s6 =	rddreg [dreg:$0x7];
	s7 =	simm.s32 $0x780  }
0x1d: {  	[tilespmem:s7], [sflag:$0x1] =	stream.linear.gather [hbm4b:s6+s3], $0x280, $0x38;
	[tilespmem:$0x2D00] =	vst v63  }
0x1e: {  	s8 =	rddreg [dreg:$0x1]  }
0x1f: {  	[tilespmem:s29], [sflag:$0x1] =	stream.linear.gather [hbm4b:s8+s3], $0x80, $0x38;
	[tilespmem:$0x2D00] =	vst v63  }
0x20: {  	s4 =	rddreg [dreg:$0x8]  }
0x21: {  	[tilespmem:s30], [sflag:$0x1] =	stream.linear.gather [hbm4b:s4+s3], $0x80, $0x38;
	[tilespmem:$0x2D00] =	vst v63  }
0x22: {  	_ = 	snop  }
0x23: {  	[tilespmem:s31], [sflag:$0x1] =	stream.linear.gather [hbm4b:s9+s3], $0x80, $0x38;
	[tilespmem:$0x2D00] =	vst v63  }
0x24: {  	_ = 	snop  }
0x25: {  	[tilespmem:s0], [sflag:$0x1] =	stream.linear.gather [hbm4b:s10+s3], $0x80, $0x38;
	[tilespmem:$0x2D00] =	vst v63  }
0x26: {  	s5 =	simm.s32 $0xA00  }
0x27: {  	[tilespmem:s5], [sflag:$0x1] =	stream.linear.gather [hbm4b:s11+s3], $0x280, $0x38;
	[tilespmem:$0x2D00] =	vst v63  }
0x28: {  	s6 =	simm.s32 $0xC80  }
0x29: {  	[tilespmem:s6], [sflag:$0x1] =	stream.linear.gather [hbm4b:s12+s3], $0x280, $0x38;
	[tilespmem:$0x2D00] =	vst v63  }
0x2a: {  	s7 =	simm.s32 $0xF00  }
0x2b: {  	[tilespmem:s7], [sflag:$0x1] =	stream.linear.gather [hbm4b:s13+s3], $0x280, $0x38;
	[tilespmem:$0x2D00] =	vst v63  }
0x2c: {  	s8 =	simm.s32 $0x1180  }
0x2d: {  	[tilespmem:s8], [sflag:$0x1] =	stream.linear.gather [hbm4b:s14+s3], $0x280, $0x38;
	[tilespmem:$0x2D00] =	vst v63  }
0x2e: {  	_ =	swait.ge [sflag:s1], $0x280  }
0x2f: {  	[sflag:s1] =	ssyncset.done $0x0  }
0x30: {  	[sflag:s1] =	ssyncadd.s32 $0xFFFFFD80  }
0x31: {  	_ =	swait.ge [sflag:s1], $0x280  }
0x32: {  	[sflag:s1] =	ssyncset.done $0x0  }
0x33: {  	[sflag:s1] =	ssyncadd.s32 $0xFFFFFD80  }
0x34: {  	_ =	swait.ge [sflag:s1], $0x280  }
0x35: {  	[sflag:s1] =	ssyncset.done $0x0  }
0x36: {  	[sflag:s1] =	ssyncadd.s32 $0xFFFFFD80  }
0x37: {  	_ =	swait.ge [sflag:s1], $0x280  }
0x38: {  	[sflag:s1] =	ssyncset.done $0x0  }
0x39: {  	[sflag:s1] =	ssyncadd.s32 $0xFFFFFD80  }
0x3a: {  	_ =	swait.ge [sflag:s1], $0x80  }
0x3b: {  	[sflag:s1] =	ssyncset.done $0x0  }
0x3c: {  	[sflag:s1] =	ssyncadd.s32 $0xFFFFFF80  }
0x3d: {  	_ =	swait.ge [sflag:s1], $0x80  }
0x3e: {  	[sflag:s1] =	ssyncset.done $0x0  }
0x3f: {  	[sflag:s1] =	ssyncadd.s32 $0xFFFFFF80  }
0x40: {  	_ =	swait.ge [sflag:s1], $0x80  }
0x41: {  	[sflag:s1] =	ssyncset.done $0x0  }
0x42: {  	[sflag:s1] =	ssyncadd.s32 $0xFFFFFF80  }
0x43: {  	_ =	swait.ge [sflag:s1], $0x80  }
0x44: {  	[sflag:s1] =	ssyncset.done $0x0  }
0x45: {  	[sflag:s1] =	ssyncadd.s32 $0xFFFFFF80  }
0x46: {  	_ =	swait.ge [sflag:s1], $0x280  }
0x47: {  	[sflag:s1] =	ssyncset.done $0x0  }
0x48: {  	[sflag:s1] =	ssyncadd.s32 $0xFFFFFD80  }
0x49: {  	_ =	swait.ge [sflag:s1], $0x280  }
0x4a: {  	[sflag:s1] =	ssyncset.done $0x0  }
0x4b: {  	[sflag:s1] =	ssyncadd.s32 $0xFFFFFD80  }
0x4c: {  	_ =	swait.ge [sflag:s1], $0x280  }
0x4d: {  	[sflag:s1] =	ssyncset.done $0x0  }
0x4e: {  	[sflag:s1] =	ssyncadd.s32 $0xFFFFFD80  }
0x4f: {  	_ =	swait.ge [sflag:s1], $0x280  }
0x50: {  	[sflag:s1] =	ssyncset.done $0x0  }
0x51: {  	[sflag:s1] =	ssyncadd.s32 $0xFFFFFD80  }
0x52: {  	v1 =	vld [tilespmem:$0x1500]  }
0x53: {  	v2 =	vld [tilespmem:$0x1400]  }
0x54: {  	v3 =	vld [tilespmem:$0x1580]  }
0x55: {  	v4 =	vld [tilespmem:$0x1480]  }
0x56: {  	v5 =	vld [tilespmem:$0x1510]  }
0x57: {  	v6 =	vld [tilespmem:$0x1410]  }
0x58: {  	v7 =	vld [tilespmem:$0x1590]  }
0x59: {  	v8 =	vld [tilespmem:$0x1490]  }
0x5a: {  	v9 =	vld [tilespmem:$0x1520]  }
0x5b: {  	v10 =	vld [tilespmem:$0x1420]  }
0x5c: {  	v11 =	vld [tilespmem:$0x15A0]  }
0x5d: {  	v12 =	vld [tilespmem:$0x14A0]  }
0x5e: {  	v13 =	vld [tilespmem:$0x1530]  }
0x5f: {  	v14 =	vld [tilespmem:$0x1430]  }
0x60: {  	v15 =	vld [tilespmem:$0x15B0]  }
0x61: {  	v16 =	vld [tilespmem:$0x14B0]  }
0x62: {  	v17 =	vld [tilespmem:$0x1540]  }
0x63: {  	v18 =	vld [tilespmem:$0x1440]  }
0x64: {  	v19 =	vld [tilespmem:$0x15C0]  }
0x65: {  	v20 =	vld [tilespmem:$0x14C0]  }
0x66: {  	v21 =	vld [tilespmem:$0x1550]  }
0x67: {  	v22 =	vld [tilespmem:$0x1450]  }
0x68: {  	v23 =	vld [tilespmem:$0x15D0]  }
0x69: {  	v24 =	vld [tilespmem:$0x14D0]  }
0x6a: {  	v25 =	vld [tilespmem:$0x1560]  }
0x6b: {  	v26 =	vld [tilespmem:$0x1460]  }
0x6c: {  	v27 =	vld [tilespmem:$0x15E0]  }
0x6d: {  	v28 =	vld [tilespmem:$0x14E0]  }
0x6e: {  	v29 =	vld [tilespmem:$0x1570]  }
0x6f: {  	v42 =	vld [tilespmem:$0x1470];
	v1 =	vsub.f32 v1, v2;
	v41 =	vsub.f32 v3, v4  }
0x70: {  	v45 =	vld [tilespmem:$0x15F0];
	v43 =	vsub.f32 v5, v6;
	v44 =	vsub.f32 v7, v8  }
0x71: {  	v48 =	vld [tilespmem:$0x14F0];
	v46 =	vsub.f32 v9, v10;
	v47 =	vsub.f32 v11, v12;
	v1 =	vmul.f32 v41, v1  }
0x72: {  	v49 =	vsub.f32 v13, v14;
	v50 =	vsub.f32 v15, v16;
	v4 =	vmul.f32 v44, v43  }
0x73: {  	v52 =	vsub.f32 v17, v18;
	v53 =	vsub.f32 v19, v20;
	v51 =	vmul.f32 v47, v46;
	[tilespmem:$0x1600] =	vst v1  }
0x74: {  	v55 =	vsub.f32 v21, v22;
	v56 =	vsub.f32 v23, v24;
	v54 =	vmul.f32 v50, v49;
	[tilespmem:$0x1610] =	vst v4  }
0x75: {  	v58 =	vsub.f32 v25, v26;
	v59 =	vsub.f32 v27, v28;
	v57 =	vmul.f32 v53, v52;
	[tilespmem:$0x1620] =	vst v51  }
0x76: {  	v3 =	vsub.f32 v29, v42;
	v61 =	vsub.f32 v45, v48;
	v60 =	vmul.f32 v56, v55;
	[tilespmem:$0x1630] =	vst v54  }
0x77: {  	v62 =	vmul.f32 v59, v58;
	[tilespmem:$0x1640] =	vst v57  }
0x78: {  	v63 =	vmul.f32 v61, v3;
	[tilespmem:$0x1650] =	vst v60  }
0x79: {  	[tilespmem:$0x1660] =	vst v62  }
0x7a: {  	s2 =	simm.s32 $0x0;
	[tilespmem:$0x1670] =	vst v63  }
.LBB2_2:
0x7b: {  	s7 =	sshll.u32 s2, $0x6  }
0x7c: {  	v28 =	vld [tilespmem:s7+$0x0]  }
0x7d: {  	v27 =	vld [tilespmem:s7+$0x280]  }
0x7e: {  	v33 =	vld [tilespmem:s7+$0x500]  }
0x7f: {  	v34 =	vld [tilespmem:s7+$0x780]  }
0x80: {  	v16 =	vld [tilespmem:s7+$0x10]  }
0x81: {  	v15 =	vld [tilespmem:s7+$0x290]  }
0x82: {  	v35 =	vld [tilespmem:s7+$0x510]  }
0x83: {  	v36 =	vld [tilespmem:s7+$0x790]  }
0x84: {  	v10 =	vld [tilespmem:s7+$0x20]  }
0x85: {  	v9 =	vld [tilespmem:s7+$0x2A0]  }
0x86: {  	v37 =	vld [tilespmem:s7+$0x520]  }
0x87: {  	v5 =	vimm.s32 $0x0;
	v38 =	vld [tilespmem:s7+$0x7A0]  }
0x88: {  	v4 =	vld [tilespmem:s7+$0x30]  }
0x89: {  	v3 =	vld [tilespmem:s7+$0x2B0]  }
0x8a: {  	v39 =	vld [tilespmem:s7+$0x530]  }
0x8b: {  	v41 =	vld [tilespmem:s7+$0x7B0]  }
0x8c: {  	v8 =	vld.idx.msk [tilespmem:v5+s0+$0x0], $0xffff  }
0x8d: {  	v14 =	vld.idx.msk [tilespmem:v5+s30+$0x0], $0xffff;
	v22 =	vsub.f32 v33, v28;
	v21 =	vsub.f32 v34, v27  }
0x8e: {  	v53 =	vimm.f32 $0.0e+00;
	v18 =	vld.idx.msk [tilespmem:v5+s31+$0x0], $0xffff;
	v12 =	vsub.f32 v35, v16;
	v7 =	vsub.f32 v36, v15  }
0x8f: {  	v40 =	vimm.f32 $1.000000000e+00;
	v17 =	vld.idx.msk [tilespmem:v5+s29+$0x0], $0xffff;
	v6 =	vsub.f32 v37, v10;
	v2 =	vsub.f32 v38, v9  }
0x90: {  	v20 =	vld.idx.msk [tilespmem:v5+s25+$0x0], $0xffff;
	v1 =	vsub.f32 v39, v4;
	v0 =	vsub.f32 v41, v3;
	v42 =	vmul.f32 v21, v22  }
0x91: {  	v45 =	vadd.s32 $0x2, v5;
	v30 =	vmul.f32 v7, v12;
	v19 =	vmul.f32 v2, v6  }
0x92: {  	v44 =	vmul.f32 v0, v1;
	v13 =	vmin.f32 v34, v8;
	v23 =	vmin.f32 v38, v8  }
0x93: {  	v24 =	vmin.f32 v41, v8;
	v25 =	vmax.f32 v3, v14;
	v26 =	vmin.f32 v39, v18  }
0x94: {  	v29 =	vmax.f32 v4, v17;
	v31 =	vmax.f32 v27, v14;
	v8 =	vmin.f32 v36, v8  }
0x95: {  	v32 =	vadd.f32 v20, v44;
	v60 =	vmin.f32 v35, v18;
	v52 =	vadd.f32 v20, v30  }
0x96: {  	v26 =	vsub.f32 v26, v29;
	v24 =	vsub.f32 v24, v25;
	v25 =	vmax.f32 v15, v14  }
0x97: {  	v29 =	vsub.f32 v13, v31;
	v25 =	vsub.f32 v8, v25;
	v8 =	vor.u32 $0x1, v5  }
0x98: {  	v31 =	vmax.f32 v28, v17;
	v13 =	vmax.f32 v26, $0.0e+00;
	v24 =	vmax.f32 v24, $0.0e+00  }
0x99: {  	v26 =	vmin.f32 v33, v18;
	v18 =	vmin.f32 v37, v18;
	v29 =	vmax.f32 v29, $0.0e+00  }
0x9a: {  	v13 =	vmul.f32 v24, v13;
	v24 =	vmax.f32 v9, v14;
	v26 =	vsub.f32 v26, v31  }
0x9b: {  	v31 =	vmax.f32 v10, v17;
	v17 =	vmax.f32 v16, v17;
	v25 =	vmax.f32 v25, $0.0e+00  }
0x9c: {  	v18 =	vsub.f32 v18, v31;
	v23 =	vsub.f32 v23, v24;
	v26 =	vmax.f32 v26, $0.0e+00;
	v31 =	vld.idx.msk [tilespmem:v8+s25+$0x0], $0xffff  }
0x9d: {  	v24 =	vadd.f32 v20, v42;
	v17 =	vsub.f32 v60, v17;
	v55 =	vmul.f32 v29, v26;
	v29 =	vld.idx.msk [tilespmem:v8+s31+$0x0], $0xffff  }
0x9e: {  	v14 =	vsub.f32 v32, v13;
	v18 =	vmax.f32 v18, $0.0e+00;
	v23 =	vmax.f32 v23, $0.0e+00;
	v48 =	vld.idx.msk [tilespmem:v8+s29+$0x0], $0xffff  }
0x9f: {  	v26 =	vadd.f32 v20, v19;
	v20 =	vmul.f32 v13, v40;
	v49 =	vld.idx.msk [tilespmem:v8+s30+$0x0], $0xffff;
	v18 =	vmul.f32 v23, v18  }
0xa0: {  	v17 =	vmax.f32 v17, $0.0e+00;
	v46 =	vmul.f32 v14, v53;
	v24 =	vsub.f32 v24, v55  }
0xa1: {  	v23 =	vld.idx.msk [tilespmem:v8+s0+$0x0], $0xffff;
	v51 =	vmul.f32 v25, v17;
	v61 =	vmul.f32 v55, v40;
	v26 =	vsub.f32 v26, v18  }
0xa2: {  	v47 =	vmul.f32 v18, v40;
	vm0 =	vgt.f32 v20, v46;
	v43 =	vmul.f32 v24, v53  }
0xa3: {  	v62 =	vmul.f32 v26, v53;
	v54 =	vadd.f32 v31, v42;
	v17 =	vadd.f32 v31, v44  }
0xa4: {  	v32 =	vmin.f32 v39, v29;
	v57 =	vmax.f32 v16, v48;
	v58 =	vmax.f32 v27, v49  }
0xa5: {  	v59 =	vmax.f32 v15, v49;
	v60 =	vmax.f32 v4, v48;
	vm2 =	vgt.f32 v61, v43  }
0xa6: {  	v25 =	vmin.f32 v41, v23;
	v43 =	vmax.f32 v28, v48;
	v56 =	vmin.f32 v34, v23  }
0xa7: {  	v46 =	vmin.f32 v38, v23;
	v61 =	vmax.f32 v3, v49;
	v63 =	vsub.f32 v32, v60  }
0xa8: {  	v48 =	vmax.f32 v10, v48;
	v50 =	vsel vm2, v24, v40;
	vm1 =	vgt.f32 v47, v62  }
0xa9: {  	v24 =	vmin.f32 v36, v23;
	v23 =	vmin.f32 v37, v29;
	v47 =	vmax.f32 v9, v49  }
0xaa: {  	v56 =	vsub.f32 v56, v58;
	v25 =	vsub.f32 v25, v61;
	v20 =	vsel vm1, v18, v53  }
0xab: {  	v18 =	vmin.f32 v33, v29;
	v29 =	vmin.f32 v35, v29;
	v32 =	vsel vm1, v26, v40  }
0xac: {  	[tilespmem:$0x1FFB0] =	vst v7;
	v24 =	vsub.f32 v24, v59;
	v26 =	vmax.f32 v63, $0.0e+00;
	v49 =	vsub.f32 v23, v48  }
0xad: {  	[tilespmem:$0x1FFC0] =	vst v2;
	v48 =	vimm.f32 $0.0e+00;
	v23 =	vimm.s32 $0x0;
	v59 =	vsub.f32 v18, v43  }
0xae: {  	[tilespmem:$0x1FFD0] =	vst v6;
	v58 =	vmax.f32 v56, $0.0e+00;
	v60 =	vsub.f32 v29, v57;
	v29 =	vmax.f32 v25, $0.0e+00  }
0xaf: {  	s8 =	simm.s32 $0x0;
	[tilespmem:$0x1FFE0] =	vst v0;
	v18 =	vimm.s32 $0x0;
	v56 =	vimm.s32 $0x0;
	v25 =	vimm.f32 $0.0e+00  }
0xb0: {  	s6 =	sor.u32 $0x10, s7;
	s5 =	sor.u32 $0x20, s7;
	s4 =	sor.u32 $0x30, s7;
	[tilespmem:$0x1FFF0] =	vst v1;
	v43 =	vimm.s32 $0x0;
	v57 =	vmax.f32 v24, $0.0e+00;
	v24 =	vimm.f32 $1.000000000e+00  }
.LBB2_3:
0xb1: {  	v61 =	vld.idx.msk [tilespmem:v45+s0+$0x0], $0xffff;
	s8 =	sadd.s32 $0x2, s8;
	v52 =	vsub.f32 v52, v51;
	v60 =	vmax.f32 v60, $0.0e+00;
	v46 =	vsub.f32 v46, v47  }
0xb2: {  	v53 =	vsel vm2, v55, v53;
	v18 =	vsel vm0, v5, v18;
	v47 =	vld.idx.msk [tilespmem:v45+s25+$0x0], $0xffff;
	p0 =	slt.u32 s8, $0x7E;
	v49 =	vmax.f32 v49, $0.0e+00  }
0xb3: {  	v62 =	vmul.f32 v51, v40;
	v55 =	vld.idx.msk [tilespmem:v45+s30+$0x0], $0xffff;
	v63 =	vmul.f32 v52, v48;
	v46 =	vmax.f32 v46, $0.0e+00  }
0xb4: {  	v56 =	vsel vm2, v5, v56;
	v25 =	vsel vm0, v13, v25;
	v24 =	vsel vm0, v14, v24  }
0xb5: {  	v13 =	vadd.f32 v31, v30;
	v46 =	vmul.f32 v46, v49;
	vm0 =	vgt.f32 v62, v63  }
0xb6: {  	v14 =	vsel vm1, v5, v23;
	v23 =	vadd.f32 v31, v19;
	v57 =	vmul.f32 v57, v60;
	v49 =	vld.idx.msk [tilespmem:v45+s29+$0x0], $0xffff  }
0xb7: {  	v60 =	vmin.f32 v34, v61;
	v62 =	vmin.f32 v38, v61;
	v63 =	vmin.f32 v41, v61;
	v31 =	vld.idx.msk [tilespmem:v45+s31+$0x0], $0xffff  }
0xb8: {  	v43 =	vsel vm0, v5, v43;
	v40 =	vsel vm0, v52, v40;
	v52 =	vsub.f32 v13, v57;
	v5 =	vmovc v45  }
0xb9: {  	v61 =	vmin.f32 v36, v61;
	v13 =	vmax.f32 v27, v55;
	v0 =	vmax.f32 v15, v55  }
0xba: {  	v1 =	vmax.f32 v9, v55;
	v60 =	vsub.f32 v60, v13;
	v13 =	vmul.f32 v57, v40  }
0xbb: {  	v48 =	vsel vm0, v51, v48;
	v51 =	vsub.f32 v23, v46;
	v23 =	vmul.f32 v46, v32  }
0xbc: {  	v26 =	vmul.f32 v29, v26;
	v55 =	vmax.f32 v3, v55;
	v2 =	vmax.f32 v28, v49  }
0xbd: {  	v7 =	vmul.f32 v51, v20;
	v6 =	vmax.f32 v4, v49;
	v29 =	vmin.f32 v39, v31  }
0xbe: {  	v11 =	vmin.f32 v33, v31;
	v6 =	vsub.f32 v29, v6;
	v29 =	vmul.f32 v52, v48  }
0xbf: {  	v59 =	vmax.f32 v59, $0.0e+00;
	v55 =	vsub.f32 v63, v55;
	vm0 =	vgt.f32 v23, v7  }
0xc0: {  	v7 =	vmul.f32 v58, v59;
	v6 =	vmax.f32 v6, $0.0e+00;
	vm1 =	vgt.f32 v13, v29  }
0xc1: {  	v13 =	vmax.f32 v55, $0.0e+00;
	v29 =	vadd.f32 v47, v44;
	v43 =	vsel vm1, v8, v43  }
0xc2: {  	v23 =	vsel vm0, v8, v14;
	v13 =	vmul.f32 v13, v6;
	v40 =	vsel vm1, v52, v40  }
0xc3: {  	v0 =	vsub.f32 v61, v0;
	v6 =	vsel vm0, v51, v32;
	v32 =	vmul.f32 v26, v24  }
0xc4: {  	v2 =	vsub.f32 v11, v2;
	v48 =	vsel vm1, v57, v48;
	v14 =	vsub.f32 v29, v13  }
0xc5: {  	v11 =	vmin.f32 v35, v31;
	v51 =	vmul.f32 v7, v50;
	v29 =	vmax.f32 v16, v49  }
0xc6: {  	v17 =	vsub.f32 v17, v26;
	v2 =	vmax.f32 v2, $0.0e+00;
	v52 =	vmax.f32 v60, $0.0e+00  }
0xc7: {  	v54 =	vsub.f32 v54, v7;
	v55 =	vmul.f32 v52, v2;
	v2 =	vadd.f32 v47, v42  }
0xc8: {  	v0 =	vmax.f32 v0, $0.0e+00;
	v57 =	vmul.f32 v17, v25;
	v49 =	vmax.f32 v10, v49  }
0xc9: {  	v58 =	vor.u32 $0x1, v45;
	v59 =	vmul.f32 v54, v53;
	v2 =	vsub.f32 v2, v55  }
0xca: {  	v20 =	vsel vm0, v46, v20;
	v31 =	vmin.f32 v37, v31;
	v52 =	vadd.f32 v47, v30  }
0xcb: {  	v46 =	vadd.f32 v47, v19;
	vm0 =	vgt.f32 v51, v59;
	vm1 =	vgt.f32 v32, v57  }
0xcc: {  	v1 =	vsub.f32 v62, v1;
	v31 =	vsub.f32 v31, v49;
	v56 =	vsel vm0, v8, v56  }
0xcd: {  	v53 =	vsel vm0, v7, v53;
	v7 =	vsel vm0, v54, v50;
	v18 =	vsel vm1, v8, v18;
	v8 =	vmovc v58  }
0xce: {  	v1 =	vmax.f32 v1, $0.0e+00;
	v24 =	vsel vm1, v17, v24;
	v32 =	vmax.f32 v31, $0.0e+00;
	v31 =	vld.idx.msk [tilespmem:v58+s25+$0x0], $0xffff  }
0xcf: {  	v25 =	vsel vm1, v26, v25;
	v17 =	vmul.f32 v13, v24;
	v1 =	vmul.f32 v1, v32;
	v32 =	vld.idx.msk [tilespmem:v58+s0+$0x0], $0xffff  }
0xd0: {  	v45 =	vadd.s32 $0x2, v45;
	v11 =	vsub.f32 v11, v29;
	v26 =	vmul.f32 v14, v25;
	v29 =	vld.idx.msk [tilespmem:v58+s31+$0x0], $0xffff  }
0xd1: {  	v47 =	vmul.f32 v55, v7;
	v49 =	vmul.f32 v2, v53;
	v57 =	vsub.f32 v46, v1;
	v58 =	vld.idx.msk [tilespmem:v58+s29+$0x0], $0xffff  }
0xd2: {  	v11 =	vmax.f32 v11, $0.0e+00;
	vm0 =	vgt.f32 v17, v26;
	v46 =	vmul.f32 v1, v6;
	v26 =	vld.idx.msk [tilespmem:v8+s30+$0x0], $0xffff  }
0xd3: {  	v51 =	vmul.f32 v0, v11;
	vm2 =	vgt.f32 v47, v49;
	v0 =	vmul.f32 v57, v20  }
0xd4: {  	v50 =	vsel vm2, v2, v7;
	v54 =	vadd.f32 v31, v42;
	v17 =	vadd.f32 v31, v44  }
0xd5: {  	vm1 =	vgt.f32 v46, v0;
	v0 =	vmin.f32 v36, v32;
	v2 =	vmin.f32 v41, v32  }
0xd6: {  	v20 =	vsel vm1, v1, v20;
	v1 =	vmin.f32 v33, v29;
	v7 =	vmin.f32 v39, v29  }
0xd7: {  	v49 =	vmin.f32 v34, v32;
	v11 =	vmax.f32 v28, v58;
	v60 =	vmax.f32 v16, v58  }
0xd8: {  	v46 =	vmin.f32 v38, v32;
	v59 =	vmax.f32 v27, v26;
	v61 =	vmax.f32 v15, v26  }
0xd9: {  	v62 =	vmin.f32 v37, v29;
	v32 =	vmax.f32 v4, v58;
	v63 =	vmax.f32 v3, v26  }
.Ltmp0:
0xda: {  	v29 =	vmin.f32 v35, v29;
	v47 =	vmax.f32 v9, v26;
	v7 =	vsub.f32 v7, v32;
	(pc) =	sbr.rel @p0 .LBB2_3-.Ltmp0, $4  }
0xdb: {  	v32 =	vsel vm1, v57, v6;
	v6 =	vsub.f32 v49, v59;
	v0 =	vsub.f32 v0, v61  }
0xdc: {  	v49 =	vmax.f32 v10, v58;
	v2 =	vsub.f32 v2, v63;
	v26 =	vmax.f32 v7, $0.0e+00  }
0xdd: {  	v60 =	vsub.f32 v29, v60;
	v59 =	vsub.f32 v1, v11;
	v58 =	vmax.f32 v6, $0.0e+00  }
0xde: {  	v49 =	vsub.f32 v62, v49;
	v57 =	vmax.f32 v0, $0.0e+00;
	v29 =	vmax.f32 v2, $0.0e+00  }
0xdf: {  	v0 =	vmax.f32 v59, $0.0e+00  }
0xe0: {  	v0 =	vmul.f32 v58, v0;
	_ =	sdelay $0x1  }
0xe1: {  	v1 =	vsub.f32 v54, v0  }
0xe2: {  	v2 =	vsel vm2, v55, v53  }
0xe3: {  	v6 =	vmul.f32 v0, v50;
	v7 =	vmul.f32 v1, v2;
	_ =	sdelay $0x1  }
0xe4: {  	vm3 =	vgt.f32 v6, v7  }
0xe5: {  	v1 =	vsel vm3, v1, v50  }
0xe6: {  	v1 =	vmax.f32 v1, $9.999999710e-10  }
0xe7: {  	(erf) = vrcp.f32 v1;
	_ =	sdelay $0x8  }
0xe8: {  	v0 =	vsel vm3, v0, v2;
	v1 =	vpop (erf)  }
0xe9: {  	v0 =	vmul.f32 v1, v0  }
0xea: {  	v44 =	vsel vm2, v5, v56  }
0xeb: {  	v1 =	vsel vm3, v8, v44;
	vm12 =	vge.f32 v0, $5.000000000e-01  }
0xec: {  	v0 =	vnsel vm12, $0x0, v1;
	_ =	sdelay $0x2  }
0xed: {  	v1 =	vnsel vm12, $0xFFFFFFFF, v1  }
0xee: {  	[tilespmem:s7+$0x1680] =	vst v1  }
0xef: {  	(erf) = vrcp.f32 v22;
	v1 =	vld.idx.msk [tilespmem:v0+s29+$0x0], $0xffff  }
0xf0: {  	(erf) = vrcp.f32 v21;
	v45 =	vld.idx.msk [tilespmem:v0+s31+$0x0], $0xffff  }
0xf1: {  	v6 =	vld.idx.msk [tilespmem:v0+s30+$0x0], $0xffff  }
0xf2: {  	v0 =	vld.idx.msk [tilespmem:v0+s0+$0x0], $0xffff;
	_ =	sdelay $0x3  }
0xf3: {  	v2 =	vsub.f32 v45, v1  }
0xf4: {  	v0 =	vsub.f32 v0, v6  }
0xf5: {  	v7 =	vpop (erf);
	v2 =	vmax.f32 v2, $1.000000000e+00  }
0xf6: {  	v33 =	vpop (erf);
	v0 =	vmax.f32 v0, $1.000000000e+00;
	v11 =	vmul.f32 v2, v7  }
0xf7: {  	v35 =	vmul.f32 v0, v33  }
0xf8: {  	v34 =	vand.u32 $0x7FFFFF, v11  }
0xf9: {  	v37 =	vand.u32 $0x7FFFFF, v35;
	v34 =	vor.u32 $0x3F800000, v34  }
0xfa: {  	v50 =	vor.u32 $0x3F800000, v37;
	v36 =	vmul.f32 $5.000000000e-01, v34  }
0xfb: {  	vm4 =	vgt.f32 v34, $1.414213540e+00;
	v38 =	vmul.f32 $5.000000000e-01, v50  }
0xfc: {  	vm13 =	vgt.f32 v50, $1.414213540e+00;
	v34 =	vsel vm4, v36, v34  }
0xfd: {  	v36 =	vsel vm13, v38, v50;
	v53 =	vadd.f32 $1.000000000e+00, v34  }
0xfe: {  	v54 =	vadd.f32 $1.000000000e+00, v36  }
0xff: {  	(erf) = vrcp.f32 v53  }
0x100: {  	(erf) = vrcp.f32 v54;
	_ =	sdelay $0x2  }
0x101: {  	v62 =	vld [tilespmem:s7+$0xF00]  }
0x102: {  	v59 =	vmul.f32 $5.000000000e-01, v22  }
0x103: {  	v55 =	vsub.f32 v52, v51;
	v42 =	vmax.f32 v60, $0.0e+00;
	v60 =	vmul.f32 $5.000000000e-01, v21  }
0x104: {  	v56 =	vmul.f32 v51, v40;
	v30 =	vadd.f32 v31, v30;
	v28 =	vadd.f32 v59, v28  }
0x105: {  	v39 =	vmul.f32 v55, v48;
	v27 =	vadd.f32 v60, v27;
	v34 =	vadd.f32 $-1.000000000e+00, v34  }
0x106: {  	v60 =	vmul.f32 $2.000000030e-01, v62;
	v2 =	vmul.f32 $5.000000000e-01, v2;
	v36 =	vadd.f32 $-1.000000000e+00, v36;
	v41 =	vpop (erf)  }
0x107: {  	vm14 =	vgt.f32 v56, v39;
	v0 =	vmul.f32 $5.000000000e-01, v0;
	v34 =	vmul.f32 v41, v34;
	v58 =	vpop (erf)  }
0x108: {  	v62 =	vmul.f32 $1.442695020e+00, v60;
	v1 =	vadd.f32 v2, v1;
	v36 =	vmul.f32 v58, v36  }
0x109: {  	v45 =	vsel vm14, v51, v48;
	v0 =	vadd.f32 v0, v6;
	v39 =	vmul.f32 v34, v34  }
0x10a: {  	v1 =	vsub.f32 v1, v28;
	v38 =	vmul.f32 v57, v42;
	v50 =	vmul.f32 v36, v36  }
0x10b: {  	v56 =	vld [tilespmem:s7+$0x1180];
	v37 =	vsel vm14, v55, v40;
	v0 =	vsub.f32 v0, v27;
	v44 =	vmul.f32 $2.222222240e-01, v39  }
0x10c: {  	v1 =	vmul.f32 v1, v7;
	v30 =	vsub.f32 v30, v38;
	v63 =	vmul.f32 $2.222222240e-01, v50  }
0x10d: {  	v0 =	vmul.f32 v0, v33;
	v42 =	vmul.f32 v38, v37;
	v61 =	vadd.f32 $2.857142980e-01, v44  }
0x10e: {  	v1 =	vmul.f32 $1.000000000e+01, v1;
	v51 =	vmul.f32 v30, v45;
	v58 =	vadd.f32 $2.857142980e-01, v63  }
0x10f: {  	(erf) = vpow2.f32 v62;
	v40 =	vmul.f32 v61, v39  }
0x110: {  	v61 =	vmul.f32 $2.000000030e-01, v56;
	v2 =	vmul.f32 v58, v50  }
0x111: {  	v0 =	vmul.f32 $1.000000000e+01, v0;
	vm15 =	vgt.f32 v42, v51;
	v42 =	vld [tilespmem:s7+$0xA00];
	v59 =	vadd.f32 $4.000000060e-01, v40  }
0x112: {  	v54 =	vimm.s32 $0xFFFFFF81;
	v63 =	vmul.f32 $1.442695020e+00, v61;
	v2 =	vadd.f32 $4.000000060e-01, v2  }
0x113: {  	v57 =	vsel vm13, $0xFFFFFF82, v54;
	v30 =	vsel vm15, v30, v37;
	v6 =	vmul.f32 v59, v39  }
0x114: {  	v40 =	vmax.f32 v30, $9.999999710e-10;
	(erf) = vpow2.f32 v63;
	v2 =	vmul.f32 v2, v50  }
0x115: {  	v37 =	vshra.s32 v11, $0x17;
	(erf) = vrcp.f32 v40;
	v6 =	vadd.f32 $6.666666860e-01, v6  }
0x116: {  	v11 =	vmul.f32 $1.000000010e-01, v42;
	v41 =	vsel vm4, $0xFFFFFF82, v54;
	v2 =	vadd.f32 $6.666666860e-01, v2  }
0x117: {  	v7 =	vadd.s32 v37, v41;
	v41 =	vshra.s32 v35, $0x17;
	v44 =	vld [tilespmem:s7+$0xC80];
	v6 =	vmul.f32 v6, v39  }
0x118: {  	v7 =	vcvt.s32.f32 v7;
	v30 =	vadd.s32 v41, v57;
	v2 =	vmul.f32 v2, v50  }
0x119: {  	v52 =	vmul.f32 v11, v22;
	v51 =	vpop (erf);
	v30 =	vcvt.s32.f32 v30;
	v6 =	vadd.f32 $2.000000000e+00, v6  }
0x11a: {  	v53 =	vmul.f32 v51, v22;
	v7 =	vmul.f32 $6.931471820e-01, v7;
	v2 =	vadd.f32 $2.000000000e+00, v2  }
0x11b: {  	v48 =	vmul.f32 $6.931471820e-01, v30;
	v6 =	vmul.f32 v6, v34  }
0x11c: {  	v50 =	vmul.f32 $1.000000010e-01, v44;
	v2 =	vmul.f32 v2, v36  }
0x11d: {  	v60 =	vmul.f32 $5.000000000e-01, v53;
	v56 =	vsel vm15, v38, v45;
	v55 =	vpop (erf);
	v6 =	vadd.f32 v6, v7  }
0x11e: {  	v30 =	vmul.f32 v50, v21;
	v57 =	vmul.f32 v55, v21;
	v61 =	vpop (erf);
	v2 =	vadd.f32 v2, v48  }
0x11f: {  	[tilespmem:s7+$0x1900] =	vst v1;
	v59 =	vadd.f32 v52, v28;
	v22 =	vmul.f32 v61, v56;
	v6 =	vmul.f32 $5.000000000e+00, v6  }
0x120: {  	[tilespmem:s7+$0x1B80] =	vst v0;
	v62 =	vadd.f32 v30, v27;
	v63 =	vmul.f32 $5.000000000e-01, v57;
	v58 =	vmul.f32 $5.000000000e+00, v2  }
0x121: {  	v34 =	vsel vm14, v5, v43;
	v2 =	vsub.f32 v59, v60;
	[tilespmem:s7+$0x1E00] =	vst v6  }
0x122: {  	v35 =	vsel vm15, v8, v34;
	vm5 =	vge.f32 v22, $5.000000000e-01;
	v0 =	vsub.f32 v62, v63;
	[tilespmem:s7+$0x2080] =	vst v58  }
0x123: {  	v37 =	vnsel vm5, $0x0, v35;
	[tilespmem:s7+$0x2300] =	vst v2;
	v36 =	vadd.f32 v2, v53  }
0x124: {  	v42 =	vld [tilespmem:$0x1FFB0];
	[tilespmem:s7+$0x2580] =	vst v0;
	v0 =	vadd.f32 v0, v57  }
0x125: {  	[tilespmem:s7+$0x2800] =	vst v36  }
0x126: {  	v38 =	vnsel vm5, $0xFFFFFFFF, v35;
	[tilespmem:s7+$0x2A80] =	vst v0  }
0x127: {  	[tilespmem:s6+$0x1680] =	vst v38  }
0x128: {  	(erf) = vrcp.f32 v12;
	v0 =	vld.idx.msk [tilespmem:v37+s29+$0x0], $0xffff  }
0x129: {  	(erf) = vrcp.f32 v42;
	v1 =	vld.idx.msk [tilespmem:v37+s31+$0x0], $0xffff  }
0x12a: {  	v6 =	vld.idx.msk [tilespmem:v37+s30+$0x0], $0xffff  }
0x12b: {  	v2 =	vld.idx.msk [tilespmem:v37+s0+$0x0], $0xffff;
	_ =	sdelay $0x3  }
0x12c: {  	v1 =	vsub.f32 v1, v0  }
0x12d: {  	v2 =	vsub.f32 v2, v6  }
0x12e: {  	v7 =	vpop (erf);
	v1 =	vmax.f32 v1, $1.000000000e+00  }
0x12f: {  	v21 =	vpop (erf);
	v2 =	vmax.f32 v2, $1.000000000e+00;
	v11 =	vmul.f32 v1, v7  }
0x130: {  	v27 =	vmul.f32 v2, v21  }
0x131: {  	v39 =	vand.u32 $0x7FFFFF, v11  }
0x132: {  	v41 =	vand.u32 $0x7FFFFF, v27;
	v22 =	vor.u32 $0x3F800000, v39  }
0x133: {  	v43 =	vor.u32 $0x3F800000, v41;
	v40 =	vmul.f32 $5.000000000e-01, v22  }
0x134: {  	vm6 =	vgt.f32 v22, $1.414213540e+00;
	v45 =	vmul.f32 $5.000000000e-01, v43  }
0x135: {  	vm7 =	vgt.f32 v43, $1.414213540e+00;
	v22 =	vsel vm6, v40, v22  }
0x136: {  	v28 =	vsel vm7, v45, v43;
	v44 =	vadd.f32 $1.000000000e+00, v22  }
0x137: {  	v48 =	vadd.f32 $1.000000000e+00, v28  }
0x138: {  	(erf) = vrcp.f32 v44  }
0x139: {  	v50 =	vsub.f32 v46, v47;
	(erf) = vrcp.f32 v48;
	_ =	sdelay $0x1  }
0x13a: {  	v52 =	vmax.f32 v49, $0.0e+00;
	v30 =	vmax.f32 v50, $0.0e+00  }
0x13b: {  	v19 =	vadd.f32 v31, v19;
	v30 =	vmul.f32 v30, v52  }
0x13c: {  	v62 =	vld [tilespmem:s6+$0xF00]  }
0x13d: {  	v55 =	vmul.f32 $5.000000000e-01, v12;
	v19 =	vsub.f32 v19, v30  }
0x13e: {  	v34 =	vmul.f32 v30, v32  }
0x13f: {  	v16 =	vadd.f32 v55, v16;
	v60 =	vmul.f32 v19, v20;
	v22 =	vadd.f32 $-1.000000000e+00, v22;
	v44 =	vld [tilespmem:s6+$0x1180]  }
0x140: {  	v58 =	vmul.f32 $5.000000000e-01, v42;
	v1 =	vmul.f32 $5.000000000e-01, v1;
	v28 =	vadd.f32 $-1.000000000e+00, v28;
	v51 =	vpop (erf)  }
0x141: {  	vm8 =	vgt.f32 v34, v60;
	v48 =	vmul.f32 $2.000000030e-01, v62;
	v22 =	vmul.f32 v51, v22;
	v53 =	vpop (erf)  }
0x142: {  	v15 =	vadd.f32 v58, v15;
	v2 =	vmul.f32 $5.000000000e-01, v2;
	v28 =	vmul.f32 v53, v28  }
0x143: {  	v19 =	vsel vm8, v19, v32;
	v50 =	vmul.f32 $1.442695020e+00, v48;
	v31 =	vmul.f32 v22, v22  }
0x144: {  	v0 =	vadd.f32 v1, v0;
	v49 =	vmul.f32 $2.000000030e-01, v44;
	v59 =	vmul.f32 v28, v28  }
0x145: {  	v2 =	vadd.f32 v2, v6;
	(erf) = vpow2.f32 v50;
	v56 =	vmul.f32 $2.222222240e-01, v31  }
0x146: {  	v11 =	vshra.s32 v11, $0x17;
	v51 =	vmul.f32 $1.442695020e+00, v49;
	v63 =	vmul.f32 $2.222222240e-01, v59  }
0x147: {  	v55 =	vshra.s32 v27, $0x17;
	v0 =	vsub.f32 v0, v16;
	v61 =	vadd.f32 $2.857142980e-01, v56  }
0x148: {  	v58 =	vld [tilespmem:s6+$0xC80];
	v2 =	vsub.f32 v2, v15;
	(erf) = vpow2.f32 v51;
	v46 =	vadd.f32 $2.857142980e-01, v63  }
0x149: {  	v57 =	vsel vm6, $0xFFFFFF82, v54;
	v0 =	vmul.f32 v0, v7;
	v33 =	vmul.f32 v61, v31  }
0x14a: {  	v45 =	vsel vm7, $0xFFFFFF82, v54;
	v2 =	vmul.f32 v2, v21;
	v56 =	vld [tilespmem:s6+$0xA00];
	v1 =	vmul.f32 v46, v59  }
0x14b: {  	v52 =	vadd.s32 v11, v57;
	v57 =	vadd.s32 v55, v45;
	v47 =	vadd.f32 $4.000000060e-01, v33  }
0x14c: {  	v7 =	vcvt.s32.f32 v52;
	v11 =	vcvt.s32.f32 v57;
	v1 =	vadd.f32 $4.000000060e-01, v1  }
0x14d: {  	v53 =	vmax.f32 v19, $9.999999710e-10;
	v19 =	vmul.f32 $1.000000010e-01, v58;
	v6 =	vmul.f32 v47, v31  }
0x14e: {  	(erf) = vrcp.f32 v53;
	v1 =	vmul.f32 v1, v59  }
0x14f: {  	v0 =	vmul.f32 $1.000000000e+01, v0;
	v61 =	vpop (erf);
	v60 =	vmul.f32 $1.000000010e-01, v56;
	v6 =	vadd.f32 $6.666666860e-01, v6  }
0x150: {  	v19 =	vmul.f32 v19, v42;
	v63 =	vmul.f32 v61, v12;
	v1 =	vadd.f32 $6.666666860e-01, v1  }
0x151: {  	v27 =	vpop (erf);
	v62 =	vmul.f32 v60, v12;
	v6 =	vmul.f32 v6, v31  }
0x152: {  	v12 =	vmul.f32 v27, v42;
	v1 =	vmul.f32 v1, v59  }
0x153: {  	v2 =	vmul.f32 $1.000000000e+01, v2;
	v7 =	vmul.f32 $6.931471820e-01, v7;
	v6 =	vadd.f32 $2.000000000e+00, v6  }
0x154: {  	v34 =	vadd.f32 v19, v15;
	v35 =	vmul.f32 $5.000000000e-01, v12;
	v1 =	vadd.f32 $2.000000000e+00, v1  }
0x155: {  	v36 =	vsel vm1, v5, v23;
	v32 =	vmul.f32 $5.000000000e-01, v63;
	v6 =	vmul.f32 v6, v22  }
0x156: {  	v59 =	vmul.f32 $6.931471820e-01, v11;
	v38 =	vsub.f32 v34, v35;
	v1 =	vmul.f32 v1, v28  }
0x157: {  	[tilespmem:s6+$0x1900] =	vst v0;
	v33 =	vpop (erf);
	v31 =	vadd.f32 v62, v16;
	v28 =	vsel vm8, v30, v20;
	v6 =	vadd.f32 v6, v7  }
0x158: {  	[tilespmem:s6+$0x1B80] =	vst v2;
	v0 =	vadd.f32 v38, v12;
	v16 =	vmul.f32 v33, v28;
	v1 =	vadd.f32 v1, v59  }
0x159: {  	v37 =	vsel vm8, v8, v36;
	[tilespmem:s6+$0x2580] =	vst v38;
	v6 =	vmul.f32 $5.000000000e+00, v6  }
0x15a: {  	[tilespmem:s6+$0x2A80] =	vst v0;
	vm9 =	vge.f32 v16, $5.000000000e-01;
	v30 =	vmul.f32 $5.000000000e+00, v1;
	v1 =	vsub.f32 v31, v32;
	v31 =	vld [tilespmem:$0x1FFD0]  }
0x15b: {  	v39 =	vnsel vm9, $0x0, v37;
	[tilespmem:s6+$0x1E00] =	vst v6  }
0x15c: {  	[tilespmem:s6+$0x2300] =	vst v1;
	v1 =	vadd.f32 v1, v63  }
0x15d: {  	[tilespmem:s6+$0x2080] =	vst v30  }
0x15e: {  	v40 =	vnsel vm9, $0xFFFFFFFF, v37;
	v30 =	vld [tilespmem:$0x1FFC0];
	[tilespmem:s6+$0x2800] =	vst v1  }
0x15f: {  	[tilespmem:s5+$0x1680] =	vst v40;
	(erf) = vrcp.f32 v31  }
0x160: {  	v0 =	vld.idx.msk [tilespmem:v39+s29+$0x0], $0xffff  }
0x161: {  	v1 =	vld.idx.msk [tilespmem:v39+s31+$0x0], $0xffff;
	_ =	sdelay $0x1  }
0x162: {  	(erf) = vrcp.f32 v30  }
0x163: {  	v41 =	vld.idx.msk [tilespmem:v39+s30+$0x0], $0xffff  }
0x164: {  	v2 =	vld.idx.msk [tilespmem:v39+s0+$0x0], $0xffff  }
0x165: {  	v1 =	vsub.f32 v1, v0;
	_ =	sdelay $0x1  }
0x166: {  	v1 =	vmax.f32 v1, $1.000000000e+00;
	v42 =	vpop (erf)  }
0x167: {  	v43 =	vmul.f32 v1, v42  }
0x168: {  	v2 =	vsub.f32 v2, v41  }
0x169: {  	v44 =	vand.u32 $0x7FFFFF, v43  }
0x16a: {  	v2 =	vmax.f32 v2, $1.000000000e+00;
	v45 =	vpop (erf);
	v12 =	vor.u32 $0x3F800000, v44  }
0x16b: {  	v47 =	vmul.f32 v2, v45;
	v46 =	vmul.f32 $5.000000000e-01, v12  }
0x16c: {  	vm10 =	vgt.f32 v12, $1.414213540e+00  }
0x16d: {  	v48 =	vand.u32 $0x7FFFFF, v47;
	v12 =	vsel vm10, v46, v12  }
0x16e: {  	v20 =	vor.u32 $0x3F800000, v48;
	v16 =	vadd.f32 $1.000000000e+00, v12  }
0x16f: {  	v49 =	vmul.f32 $5.000000000e-01, v20  }
0x170: {  	vm11 =	vgt.f32 v20, $1.414213540e+00;
	(erf) = vrcp.f32 v16  }
0x171: {  	v16 =	vsel vm11, v49, v20  }
0x172: {  	v20 =	vadd.f32 $1.000000000e+00, v16  }
0x173: {  	v51 =	vmul.f32 v29, v26  }
0x174: {  	(erf) = vrcp.f32 v20  }
0x175: {  	v17 =	vsub.f32 v17, v51  }
0x176: {  	v13 =	vsel vm0, v13, v25;
	v14 =	vsel vm0, v14, v24;
	v59 =	vld [tilespmem:s5+$0xF00]  }
0x177: {  	v55 =	vmul.f32 v51, v14;
	v62 =	vmul.f32 v17, v13;
	v61 =	vld [tilespmem:s5+$0x1180]  }
0x178: {  	v12 =	vadd.f32 $-1.000000000e+00, v12  }
0x179: {  	vm12 =	vgt.f32 v55, v62;
	v50 =	vpop (erf)  }
0x17a: {  	v14 =	vsel vm12, v17, v14;
	v56 =	vmul.f32 $5.000000000e-01, v31;
	v12 =	vmul.f32 v50, v12  }
0x17b: {  	v38 =	vmax.f32 v14, $9.999999710e-10;
	v57 =	vmul.f32 $5.000000000e-01, v30;
	v33 =	vmul.f32 $2.000000030e-01, v59  }
0x17c: {  	v34 =	vmul.f32 $2.000000030e-01, v61;
	v16 =	vadd.f32 $-1.000000000e+00, v16;
	v20 =	vmul.f32 v12, v12  }
0x17d: {  	v10 =	vadd.f32 v56, v10;
	v36 =	vmul.f32 $1.442695020e+00, v33;
	v1 =	vmul.f32 $5.000000000e-01, v1;
	v53 =	vpop (erf)  }
0x17e: {  	v9 =	vadd.f32 v57, v9;
	v16 =	vmul.f32 v53, v16;
	v52 =	vmul.f32 $2.222222240e-01, v20  }
0x17f: {  	v7 =	vmul.f32 $1.442695020e+00, v34;
	v2 =	vmul.f32 $5.000000000e-01, v2;
	v0 =	vadd.f32 v1, v0  }
0x180: {  	v11 =	vshra.s32 v43, $0x17;
	v43 =	vld [tilespmem:s5+$0xC80];
	v58 =	vmul.f32 v16, v16;
	v22 =	vadd.f32 $2.857142980e-01, v52  }
0x181: {  	v2 =	vadd.f32 v2, v41;
	v0 =	vsub.f32 v0, v10;
	v39 =	vshra.s32 v47, $0x17  }
0x182: {  	v29 =	vsel vm10, $0xFFFFFF82, v54;
	v60 =	vmul.f32 $2.222222240e-01, v58;
	v22 =	vmul.f32 v22, v20  }
0x183: {  	v0 =	vmul.f32 v0, v42;
	v6 =	vadd.s32 v11, v29;
	(erf) = vpow2.f32 v36  }
0x184: {  	v6 =	vcvt.s32.f32 v6;
	v32 =	vadd.f32 $2.857142980e-01, v60;
	v63 =	vadd.f32 $4.000000060e-01, v22  }
0x185: {  	v2 =	vsub.f32 v2, v9;
	v14 =	vmul.f32 $1.000000010e-01, v43;
	(erf) = vpow2.f32 v7  }
0x186: {  	v41 =	vld [tilespmem:s5+$0xA00];
	v40 =	vsel vm11, $0xFFFFFF82, v54;
	v22 =	vmul.f32 v32, v58;
	v1 =	vmul.f32 v63, v20  }
0x187: {  	v2 =	vmul.f32 v2, v45;
	v42 =	vadd.s32 v39, v40;
	(erf) = vrcp.f32 v38  }
0x188: {  	v0 =	vmul.f32 $1.000000000e+01, v0;
	v35 =	vadd.f32 $4.000000060e-01, v22;
	v1 =	vadd.f32 $6.666666860e-01, v1  }
0x189: {  	v6 =	vmul.f32 $6.931471820e-01, v6;
	v11 =	vcvt.s32.f32 v42  }
0x18a: {  	v15 =	vmul.f32 v35, v58;
	v1 =	vmul.f32 v1, v20  }
0x18b: {  	v45 =	vmul.f32 $1.000000010e-01, v41;
	v14 =	vmul.f32 v14, v30  }
0x18c: {  	v2 =	vmul.f32 $1.000000000e+01, v2;
	v46 =	vpop (erf);
	v37 =	vadd.f32 $6.666666860e-01, v15;
	v1 =	vadd.f32 $2.000000000e+00, v1  }
0x18d: {  	v13 =	vsel vm12, v51, v13;
	v47 =	vmul.f32 v45, v31;
	v48 =	vmul.f32 v46, v31  }
0x18e: {  	v55 =	vadd.f32 v14, v9;
	v49 =	vpop (erf);
	v7 =	vmul.f32 v37, v58;
	v1 =	vmul.f32 v1, v12  }
0x18f: {  	v51 =	vadd.f32 v47, v10;
	v52 =	vmul.f32 $5.000000000e-01, v48;
	v12 =	vmul.f32 v49, v30  }
0x190: {  	v44 =	vmul.f32 $6.931471820e-01, v11;
	v53 =	vpop (erf);
	v7 =	vadd.f32 $2.000000000e+00, v7;
	v1 =	vadd.f32 v1, v6  }
0x191: {  	[tilespmem:s5+$0x1900] =	vst v0;
	v10 =	vmul.f32 v53, v13;
	v58 =	vsub.f32 v51, v52;
	v56 =	vmul.f32 $5.000000000e-01, v12  }
0x192: {  	v57 =	vsel vm0, v5, v18;
	[tilespmem:s5+$0x1B80] =	vst v2;
	v7 =	vmul.f32 v7, v16;
	v1 =	vmul.f32 $5.000000000e+00, v1  }
0x193: {  	v5 =	vsel vm12, v8, v57;
	[tilespmem:s5+$0x2300] =	vst v58;
	v59 =	vsub.f32 v55, v56  }
0x194: {  	vm13 =	vge.f32 v10, $5.000000000e-01;
	v6 =	vadd.f32 v7, v44;
	[tilespmem:s5+$0x1E00] =	vst v1;
	v1 =	vadd.f32 v58, v48  }
0x195: {  	v62 =	vld [tilespmem:$0x1FFF0];
	v60 =	vnsel vm13, $0x0, v5;
	[tilespmem:s5+$0x2580] =	vst v59;
	v0 =	vadd.f32 v59, v12  }
0x196: {  	v63 =	vld [tilespmem:$0x1FFE0];
	v50 =	vmul.f32 $5.000000000e+00, v6;
	[tilespmem:s5+$0x2800] =	vst v1  }
0x197: {  	[tilespmem:s5+$0x2A80] =	vst v0  }
0x198: {  	v61 =	vnsel vm13, $0xFFFFFFFF, v5;
	[tilespmem:s5+$0x2080] =	vst v50  }
0x199: {  	[tilespmem:s4+$0x1680] =	vst v61  }
0x19a: {  	(erf) = vrcp.f32 v62;
	v0 =	vld.idx.msk [tilespmem:v60+s29+$0x0], $0xffff  }
0x19b: {  	(erf) = vrcp.f32 v63;
	v1 =	vld.idx.msk [tilespmem:v60+s31+$0x0], $0xffff  }
0x19c: {  	v20 =	vld.idx.msk [tilespmem:v60+s30+$0x0], $0xffff  }
0x19d: {  	v2 =	vld.idx.msk [tilespmem:v60+s0+$0x0], $0xffff;
	_ =	sdelay $0x3  }
0x19e: {  	v1 =	vsub.f32 v1, v0  }
0x19f: {  	v2 =	vsub.f32 v2, v20  }
0x1a0: {  	v21 =	vpop (erf);
	v1 =	vmax.f32 v1, $1.000000000e+00  }
0x1a1: {  	v23 =	vpop (erf);
	v2 =	vmax.f32 v2, $1.000000000e+00;
	v22 =	vmul.f32 v1, v21  }
0x1a2: {  	v25 =	vmul.f32 v2, v23  }
0x1a3: {  	v24 =	vand.u32 $0x7FFFFF, v22  }
0x1a4: {  	v27 =	vand.u32 $0x7FFFFF, v25;
	v9 =	vor.u32 $0x3F800000, v24  }
0x1a5: {  	v28 =	vor.u32 $0x3F800000, v27;
	v26 =	vmul.f32 $5.000000000e-01, v9  }
0x1a6: {  	vm14 =	vgt.f32 v9, $1.414213540e+00;
	v30 =	vmul.f32 $5.000000000e-01, v28  }
0x1a7: {  	vm15 =	vgt.f32 v28, $1.414213540e+00;
	v9 =	vsel vm14, v26, v9  }
0x1a8: {  	v11 =	vsel vm15, v30, v28;
	v29 =	vadd.f32 $1.000000000e+00, v9  }
0x1a9: {  	v31 =	vadd.f32 $1.000000000e+00, v11  }
0x1aa: {  	(erf) = vrcp.f32 v29  }
0x1ab: {  	(erf) = vrcp.f32 v31;
	_ =	sdelay $0x5  }
0x1ac: {  	v38 =	vld [tilespmem:s4+$0xF00]  }
0x1ad: {  	v39 =	vld [tilespmem:s4+$0x1180];
	v9 =	vadd.f32 $-1.000000000e+00, v9  }
0x1ae: {  	v11 =	vadd.f32 $-1.000000000e+00, v11;
	v32 =	vpop (erf)  }
0x1af: {  	v33 =	vmul.f32 $5.000000000e-01, v62;
	v9 =	vmul.f32 v32, v9;
	v35 =	vpop (erf)  }
0x1b0: {  	v41 =	vmul.f32 $5.000000000e-01, v63;
	v11 =	vmul.f32 v35, v11  }
0x1b1: {  	v48 =	vld [tilespmem:s4+$0xA00];
	v12 =	vmul.f32 $2.000000030e-01, v38;
	v34 =	vmul.f32 v9, v9  }
0x1b2: {  	v15 =	vmul.f32 $2.000000030e-01, v39;
	v37 =	vmul.f32 v11, v11  }
0x1b3: {  	v4 =	vadd.f32 v33, v4;
	v12 =	vmul.f32 $1.442695020e+00, v12;
	v36 =	vmul.f32 $2.222222240e-01, v34  }
0x1b4: {  	v3 =	vadd.f32 v41, v3;
	v1 =	vmul.f32 $5.000000000e-01, v1;
	v40 =	vmul.f32 $2.222222240e-01, v37  }
0x1b5: {  	v2 =	vmul.f32 $5.000000000e-01, v2;
	(erf) = vpow2.f32 v12;
	v14 =	vadd.f32 $2.857142980e-01, v36  }
0x1b6: {  	v51 =	vld [tilespmem:s4+$0xC80];
	v7 =	vmul.f32 $1.000000010e-01, v48;
	v0 =	vadd.f32 v1, v0;
	v42 =	vadd.f32 $2.857142980e-01, v40  }
0x1b7: {  	v44 =	vmul.f32 $1.442695020e+00, v15;
	v2 =	vadd.f32 v2, v20;
	v14 =	vmul.f32 v14, v34  }
0x1b8: {  	v7 =	vmul.f32 v7, v62;
	v0 =	vsub.f32 v0, v4;
	v6 =	vmul.f32 v42, v37  }
0x1b9: {  	v45 =	vshra.s32 v22, $0x17;
	v2 =	vsub.f32 v2, v3;
	v14 =	vadd.f32 $4.000000060e-01, v14  }
0x1ba: {  	v46 =	vsel vm14, $0xFFFFFF82, v54;
	(erf) = vpow2.f32 v44;
	v43 =	vadd.f32 $4.000000060e-01, v6  }
0x1bb: {  	v50 =	vsel vm15, $0xFFFFFF82, v54;
	v54 =	vmul.f32 $1.000000010e-01, v51;
	v14 =	vmul.f32 v14, v34  }
0x1bc: {  	v10 =	vshra.s32 v25, $0x17;
	v0 =	vmul.f32 v0, v21;
	v5 =	vmul.f32 v43, v37  }
0x1bd: {  	v2 =	vmul.f32 v2, v23;
	v10 =	vadd.s32 v10, v50;
	v14 =	vadd.f32 $6.666666860e-01, v14  }
0x1be: {  	v52 =	vcvt.s32.f32 v10;
	v57 =	vmul.f32 v54, v63;
	v53 =	vpop (erf);
	v5 =	vadd.f32 $6.666666860e-01, v5  }
0x1bf: {  	v55 =	vmul.f32 v53, v62;
	v6 =	vadd.s32 v45, v46;
	v47 =	vmul.f32 v14, v34  }
0x1c0: {  	v4 =	vadd.f32 v7, v4;
	v6 =	vcvt.s32.f32 v6;
	v1 =	vmul.f32 v5, v37  }
0x1c1: {  	v0 =	vmul.f32 $1.000000000e+01, v0;
	v2 =	vmul.f32 $1.000000000e+01, v2;
	v49 =	vadd.f32 $2.000000000e+00, v47  }
0x1c2: {  	v59 =	vmul.f32 $5.000000000e-01, v55;
	v6 =	vmul.f32 $6.931471820e-01, v6;
	v1 =	vadd.f32 $2.000000000e+00, v1  }
0x1c3: {  	v56 =	vpop (erf);
	v5 =	vmul.f32 $6.931471820e-01, v52;
	v8 =	vmul.f32 v49, v9  }
0x1c4: {  	v62 =	vsub.f32 v4, v59;
	v9 =	vmul.f32 v56, v63;
	v1 =	vmul.f32 v1, v11  }
0x1c5: {  	v60 =	vadd.f32 v57, v3;
	[tilespmem:s4+$0x1900] =	vst v0;
	v6 =	vadd.f32 v8, v6  }
0x1c6: {  	s2 =	sadd.s32 $0x1, s2;
	[tilespmem:s4+$0x1B80] =	vst v2;
	v0 =	vadd.f32 v62, v55;
	v61 =	vmul.f32 $5.000000000e-01, v9;
	v1 =	vadd.f32 v1, v5  }
0x1c7: {  	p0 =	sne.s32 s2, $0xA;
	[tilespmem:s4+$0x2300] =	vst v62;
	v58 =	vmul.f32 $5.000000000e+00, v6  }
.Ltmp1:
0x1c8: {  	[tilespmem:s4+$0x2800] =	vst v0;
	v63 =	vsub.f32 v60, v61;
	v1 =	vmul.f32 $5.000000000e+00, v1;
	(pc) =	sbr.rel @p0 .LBB2_2-.Ltmp1, $4  }
0x1c9: {  	[tilespmem:s4+$0x1E00] =	vst v58  }
0x1ca: {  	[tilespmem:s4+$0x2080] =	vst v1;
	v1 =	vadd.f32 v63, v9  }
0x1cb: {  	[tilespmem:s4+$0x2580] =	vst v63  }
0x1cc: {  	[tilespmem:s4+$0x2A80] =	vst v1  }
0x1cd: {  	s2 =	simm.s32 $0x1680  }
0x1ce: {  	[hbm4b:s15+s3] =	stream.linear.scatter [tilespmem:s2], [sflag:$0x2], $0x280, $0x38;
	[tilespmem:$0x2D00] =	vst v63  }
0x1cf: {  	s6 =	simm.s32 $0x1900  }
0x1d0: {  	[hbm4b:s16+s3] =	stream.linear.scatter [tilespmem:s6], [sflag:$0x2], $0x280, $0x38;
	[tilespmem:$0x2D00] =	vst v63  }
0x1d1: {  	s7 =	simm.s32 $0x1B80  }
0x1d2: {  	[hbm4b:s17+s3] =	stream.linear.scatter [tilespmem:s7], [sflag:$0x2], $0x280, $0x38;
	[tilespmem:$0x2D00] =	vst v63  }
0x1d3: {  	s8 =	simm.s32 $0x1E00  }
0x1d4: {  	[hbm4b:s18+s3] =	stream.linear.scatter [tilespmem:s8], [sflag:$0x2], $0x280, $0x38;
	[tilespmem:$0x2D00] =	vst v63  }
0x1d5: {  	s4 =	simm.s32 $0x2080  }
0x1d6: {  	[hbm4b:s19+s3] =	stream.linear.scatter [tilespmem:s4], [sflag:$0x2], $0x280, $0x38;
	[tilespmem:$0x2D00] =	vst v63  }
0x1d7: {  	s5 =	simm.s32 $0x2300  }
0x1d8: {  	[hbm4b:s20+s3] =	stream.linear.scatter [tilespmem:s5], [sflag:$0x2], $0x280, $0x38;
	[tilespmem:$0x2D00] =	vst v63  }
0x1d9: {  	s6 =	simm.s32 $0x2580  }
0x1da: {  	[hbm4b:s21+s3] =	stream.linear.scatter [tilespmem:s6], [sflag:$0x2], $0x280, $0x38;
	[tilespmem:$0x2D00] =	vst v63  }
0x1db: {  	s7 =	simm.s32 $0x2800  }
0x1dc: {  	[hbm4b:s22+s3] =	stream.linear.scatter [tilespmem:s7], [sflag:$0x2], $0x280, $0x38;
	[tilespmem:$0x2D00] =	vst v63  }
0x1dd: {  	s8 =	simm.s32 $0x2A80  }
0x1de: {  	[hbm4b:s23+s3] =	stream.linear.scatter [tilespmem:s8], [sflag:$0x2], $0x280, $0x38;
	[tilespmem:$0x2D00] =	vst v63  }
0x1df: {  	_ =	swait.ge [sflag:s28], $0x280  }
0x1e0: {  	[sflag:s28] =	ssyncset.done $0x0  }
0x1e1: {  	[sflag:s28] =	ssyncadd.s32 $0xFFFFFD80  }
0x1e2: {  	_ =	swait.ge [sflag:s28], $0x280  }
0x1e3: {  	[sflag:s28] =	ssyncset.done $0x0  }
0x1e4: {  	[sflag:s28] =	ssyncadd.s32 $0xFFFFFD80  }
0x1e5: {  	_ =	swait.ge [sflag:s28], $0x280  }
0x1e6: {  	[sflag:s28] =	ssyncset.done $0x0  }
0x1e7: {  	[sflag:s28] =	ssyncadd.s32 $0xFFFFFD80  }
0x1e8: {  	_ =	swait.ge [sflag:s28], $0x280  }
0x1e9: {  	[sflag:s28] =	ssyncset.done $0x0  }
0x1ea: {  	[sflag:s28] =	ssyncadd.s32 $0xFFFFFD80  }
0x1eb: {  	_ =	swait.ge [sflag:s28], $0x280  }
0x1ec: {  	[sflag:s28] =	ssyncset.done $0x0  }
0x1ed: {  	[sflag:s28] =	ssyncadd.s32 $0xFFFFFD80  }
0x1ee: {  	_ =	swait.ge [sflag:s28], $0x280  }
0x1ef: {  	[sflag:s28] =	ssyncset.done $0x0  }
0x1f0: {  	[sflag:s28] =	ssyncadd.s32 $0xFFFFFD80  }
0x1f1: {  	_ =	swait.ge [sflag:s28], $0x280  }
0x1f2: {  	[sflag:s28] =	ssyncset.done $0x0  }
0x1f3: {  	s26 =	sadd.s32 $0x1, s26;
	[sflag:s28] =	ssyncadd.s32 $0xFFFFFD80  }
0x1f4: {  	p0 =	sne.s32 s26, s24;
	_ =	swait.ge [sflag:s28], $0x280  }
.Ltmp2:
0x1f5: {  	[sflag:s28] =	ssyncset.done $0x0;
	(pc) =	sbr.rel @p0 .LBB2_1-.Ltmp2, $4  }
0x1f6: {  	[sflag:s28] =	ssyncadd.s32 $0xFFFFFD80  }
0x1f7: {  	_ =	swait.ge [sflag:s28], $0x280  }
0x1f8: {  	[sflag:s28] =	ssyncset.done $0x0  }
0x1f9: {  	[sflag:s28] =	ssyncadd.s32 $0xFFFFFD80  }
0x1fa: {  	_ =	sfence.sel $0x180000  }
0x1fb: {  	[bflag:$0x0] =	sbarrier.arrive $0xFFFF  }
0x1fc: {  	_ =	strace $0x90000047  }
0x1fd: {  	s0 =	stileid.u32;
	[bflag:$0x2] =	sbarrier.arrive $0xFFFF  }
0x1fe: {  	p0 =	sne.s32 s0, $0x0;
	s0 =	rddreg [dreg:$0x3]  }
0x1ff: {  	s0 =	sadd.s32 @!p0 $0x100000, s0  }
0x200: {  	[sflag:s0] =	ssyncadd.tile.s32 @!p0 $0x1;
	_ =	shalt  }
.Lfunc_end2:
_tile_overlayer_lowered:
.L_overlay_start_2:
0x201: {  	(tag) =	ssettag $0x2  }
0x202: {  	s0 =	rddreg [dreg:$0x0];
	s2 =	stileid.u32  }
0x203: {  	s1 =	rddreg [dreg:$0x1];
	p0 =	sne.s32 s2, $0x0  }
0x204: {  	s3 =	rddreg [dreg:$0x2];
	[bflag:$0x3] =	sbarrier.arrive $0xFFFF;
	s2 =	simm.s32 @!p0 $0x1C03  }
0x205: {  	[timem:s3], [sflag:s2] =	dma.local @!p0 [hbm:s0], s1  }
0x206: {  	s0 =	simm.s32 @!p0 $0x3  }
0x207: {  	_ =	swait.ge @!p0 [sflag:s0], s1  }
0x208: {  	s1 =	ssub.s32 @!p0 $0x0, s1;
	[sflag:s0] =	ssyncset.done @!p0 $0x0  }
0x209: {  	[sflag:s0] =	ssyncadd.s32 @!p0 s1  }
0x20a: {  	[bflag:$0x3] =	sbarrier.arrive $0xFFFF  }
0x20b: {  	_ =	shalt  }

</sc_bundles>
